<compile_context>
chip_gen: v7x
topology: tpu7x:2x2x1
jax: 0.10.2.dev20260603
libtpu: 0.0.44.dev20260713+nightly
codegen_flags: <defaults>
</compile_context>

<pallas_src>
import functools

import jax
import jax.numpy as jnp
from jax import lax
from jax.experimental import pallas as pl
from jax.experimental.pallas import tpu as pltpu
from jax.experimental.pallas import tpu_sc as plsc

D = 1024
FF = 512
E = 16
T = 2048
TILE = 128
NT = (T * 2) // TILE + E
P = NT * TILE



def _route_body(x_ref, rw_ref, bias_ref, d0_ref, d1_ref, w0_ref, w1_ref, te_ref):
    x = x_ref[...]
    rw = rw_ref[...]
    logits = lax.dot_general(x, rw, (((1,), (1,)), ((), ())),
                             preferred_element_type=jnp.float32)
    scores = jax.nn.sigmoid(logits)
    biased = scores + bias_ref[...]
    lane = lax.broadcasted_iota(jnp.int32, (T, E), 1)

    m1 = jnp.max(biased, axis=1, keepdims=True)
    i1 = jnp.min(jnp.where(biased == m1, lane, E), axis=1, keepdims=True)
    sel1 = lane == i1
    w1r = jnp.sum(jnp.where(sel1, scores, 0.0), axis=1, keepdims=True)

    biased2 = jnp.where(sel1, -1e30, biased)
    m2 = jnp.max(biased2, axis=1, keepdims=True)
    i2 = jnp.min(jnp.where(biased2 == m2, lane, E), axis=1, keepdims=True)
    sel2 = lane == i2
    w2r = jnp.sum(jnp.where(sel2, scores, 0.0), axis=1, keepdims=True)

    denom = jnp.clip(w1r + w2r, 1e-20, None)
    w0_ref[...] = jnp.broadcast_to(w1r / denom, (T, 128))
    w1_ref[...] = jnp.broadcast_to(w2r / denom, (T, 128))

    onehot = sel1.astype(jnp.float32) + sel2.astype(jnp.float32)
    c = onehot
    sh = 1
    while sh < T:
        c = c + jnp.concatenate(
            [jnp.zeros((sh, E), jnp.float32), c[:-sh, :]], axis=0)
        sh *= 2
    rank = c - onehot
    total = c[T - 1:T, :]
    padded = (((total.astype(jnp.int32) + (TILE - 1)) // TILE) * TILE)

    er = lax.broadcasted_iota(jnp.int32, (E, E), 0)
    ec = lax.broadcasted_iota(jnp.int32, (E, E), 1)
    maskf = (er < ec).astype(jnp.float32)
    offs = lax.dot_general(padded.astype(jnp.float32), maskf,
                           (((1,), (0,)), ((), ())),
                           preferred_element_type=jnp.float32)

    pos = offs + rank
    d0_ref[...] = jnp.sum(jnp.where(sel1, pos, 0.0), axis=1,
                          keepdims=True).astype(jnp.int32)
    d1_ref[...] = jnp.sum(jnp.where(sel2, pos, 0.0), axis=1,
                          keepdims=True).astype(jnp.int32)

    jt = lax.broadcasted_iota(jnp.int32, (NT, E), 0) * TILE
    offs_i = offs.astype(jnp.int32)
    cnt = jnp.sum((offs_i <= jt).astype(jnp.int32), axis=1, keepdims=True) - 1
    te_ref[...] = jnp.maximum(cnt, 0)


def _route(x2, rw, bias2):
    return pl.pallas_call(
        _route_body,
        out_shape=(
            jax.ShapeDtypeStruct((T, 1), jnp.int32),
            jax.ShapeDtypeStruct((T, 1), jnp.int32),
            jax.ShapeDtypeStruct((T, 128), jnp.float32),
            jax.ShapeDtypeStruct((T, 128), jnp.float32),
            jax.ShapeDtypeStruct((NT, 1), jnp.int32),
        ),
    )(x2, rw, bias2)



def _gemm_body(te_ref, x_ref, wg_ref, wu_ref, wd_ref, ws_ref, y_ref):
    del te_ref
    x = x_ref[...].astype(jnp.bfloat16)
    wg = wg_ref[0].astype(jnp.bfloat16)
    wu = wu_ref[0].astype(jnp.bfloat16)
    wd = wd_ref[0].astype(jnp.bfloat16)
    gate = lax.dot_general(x, wg, (((1,), (1,)), ((), ())),
                           preferred_element_type=jnp.float32)
    up = lax.dot_general(x, wu, (((1,), (1,)), ((), ())),
                         preferred_element_type=jnp.float32)
    h = (gate * jax.nn.sigmoid(gate) * up).astype(jnp.bfloat16)
    y = lax.dot_general(h, wd, (((1,), (1,)), ((), ())),
                        preferred_element_type=jnp.float32)
    y_ref[...] = y * ws_ref[:, 0:1]


def _gemm(te, x_sorted, w_gate, w_up, w_down, w_sorted):
    grid_spec = pltpu.PrefetchScalarGridSpec(
        num_scalar_prefetch=1,
        grid=(NT,),
        in_specs=[
            pl.BlockSpec((TILE, D), lambda j, te: (j, 0)),
            pl.BlockSpec((1, FF, D), lambda j, te: (te[j], 0, 0)),
            pl.BlockSpec((1, FF, D), lambda j, te: (te[j], 0, 0)),
            pl.BlockSpec((1, D, FF), lambda j, te: (te[j], 0, 0)),
            pl.BlockSpec((TILE, 128), lambda j, te: (j, 0)),
        ],
        out_specs=pl.BlockSpec((TILE, D), lambda j, te: (j, 0)),
    )
    return pl.pallas_call(
        _gemm_body,
        grid_spec=grid_spec,
        out_shape=jax.ShapeDtypeStruct((P, D), jnp.float32),
    )(te, x_sorted, w_gate, w_up, w_down, w_sorted)



def _sc_scatter(x2, d0, d1, w0, w1):
    info = plsc.get_sparse_core_info()
    nw = info.num_cores * info.num_subcores
    ch = T // nw
    mesh = plsc.VectorSubcoreMesh(core_axis_name="c", subcore_axis_name="s")

    @functools.partial(
        pl.kernel,
        out_type=(
            jax.ShapeDtypeStruct((P, D), jnp.float32),
            jax.ShapeDtypeStruct((P, 128), jnp.float32),
        ),
        mesh=mesh,
        scratch_types=[
            pltpu.VMEM((ch, D), jnp.float32),
            pltpu.VMEM((ch, 128), jnp.float32),
            pltpu.VMEM((ch, 128), jnp.float32),
            pltpu.VMEM((ch,), jnp.int32),
            pltpu.VMEM((ch,), jnp.int32),
            pltpu.SemaphoreType.DMA,
            pltpu.SemaphoreType.DMA,
        ],
    )
    def k(x_hbm, d0_hbm, d1_hbm, w0_hbm, w1_hbm, out_hbm, ws_hbm,
          rows_v, wa_v, wb_v, i0_v, i1_v, s0, s1):
        wid = lax.axis_index("s") * info.num_cores + lax.axis_index("c")
        base = wid * ch
        pltpu.sync_copy(x_hbm.at[pl.ds(base, ch)], rows_v)
        pltpu.sync_copy(d0_hbm.at[pl.ds(base, ch)], i0_v)
        pltpu.sync_copy(d1_hbm.at[pl.ds(base, ch)], i1_v)
        pltpu.sync_copy(w0_hbm.at[pl.ds(base, ch)], wa_v)
        pltpu.sync_copy(w1_hbm.at[pl.ds(base, ch)], wb_v)
        c0 = pltpu.async_copy(rows_v, out_hbm.at[i0_v], s0)
        c1 = pltpu.async_copy(rows_v, out_hbm.at[i1_v], s1)
        c2 = pltpu.async_copy(wa_v, ws_hbm.at[i0_v], s0)
        c3 = pltpu.async_copy(wb_v, ws_hbm.at[i1_v], s1)
        c0.wait()
        c1.wait()
        c2.wait()
        c3.wait()

    return k(x2, d0, d1, w0, w1)



def _sc_combine(y, d0, d1):
    info = plsc.get_sparse_core_info()
    nw = info.num_cores * info.num_subcores
    per_w = T // nw
    ch = 32
    nch = per_w // ch
    mesh = plsc.VectorSubcoreMesh(core_axis_name="c", subcore_axis_name="s")

    @functools.partial(
        pl.kernel,
        out_type=jax.ShapeDtypeStruct((T, D), jnp.float32),
        mesh=mesh,
        scratch_types=[
            pltpu.VMEM((ch, D), jnp.float32),
            pltpu.VMEM((ch, D), jnp.float32),
            pltpu.VMEM((ch,), jnp.int32),
            pltpu.VMEM((ch,), jnp.int32),
            pltpu.SemaphoreType.DMA,
            pltpu.SemaphoreType.DMA,
        ],
    )
    def k(y_hbm, d0_hbm, d1_hbm, out_hbm, r0_v, r1_v, i0_v, i1_v, s0, s1):
        wid = lax.axis_index("s") * info.num_cores + lax.axis_index("c")
        for c in range(nch):
            base = wid * per_w + c * ch
            pltpu.sync_copy(d0_hbm.at[pl.ds(base, ch)], i0_v)
            pltpu.sync_copy(d1_hbm.at[pl.ds(base, ch)], i1_v)
            g0 = pltpu.async_copy(y_hbm.at[i0_v], r0_v, s0)
            g1 = pltpu.async_copy(y_hbm.at[i1_v], r1_v, s1)
            g0.wait()
            g1.wait()

            def tok_body(i, _):
                def vec_body(j, _):
                    for u in range(8):
                        sl = pl.ds((j * 8 + u) * 16, 16)
                        r0_v[i, sl] = r0_v[i, sl] + r1_v[i, sl]
                    return 0
                return lax.fori_loop(0, D // 128, vec_body, 0)

            lax.fori_loop(0, ch, tok_body, 0)
            pltpu.sync_copy(r0_v, out_hbm.at[pl.ds(base, ch)])

    return k(y, d0, d1)



def kernel(x, router_weight, e_score_correction_bias, w_gate, w_up, w_down):
    x2 = x.reshape(T, D)
    bias2 = e_score_correction_bias.reshape(1, E)
    d0, d1, w0, w1, te = _route(x2, router_weight, bias2)
    d0 = d0.reshape(T)
    d1 = d1.reshape(T)
    te = te.reshape(NT)
    x_sorted, w_sorted = _sc_scatter(x2, d0, d1, w0, w1)
    y = _gemm(te, x_sorted, w_gate, w_up, w_down, w_sorted)
    out = _sc_combine(y, d0, d1)
    return out.reshape(1, T, D)

# --- scband reference (transcript-rebuilt; emitter-appended) ---
"""Pipeline reference for scband-deep-seek-v3-mo-egemm-28037546508849 (READ-ONLY COPY).

The authoritative reference and input builder live on the scoring server;
editing this copy changes nothing except your own understanding.
"""

import jax, jax.numpy as jnp
import numpy as np

D = 1024
FF = 512
E = 16
K = 2
B = 1
S = 2048
ROUTED_SCALING = 1.0


def setup_inputs(seed: int = 0) -> dict:
    key = jax.random.key(seed)
    ks = jax.random.split(key, 6)
    x = jax.random.normal(ks[0], (B, S, D), dtype=jnp.float32)
    router_weight = jax.random.normal(ks[1], (E, D), dtype=jnp.float32) * 0.02
    e_score_correction_bias = jnp.zeros((E,), dtype=jnp.float32)
    w_gate = jax.random.normal(ks[2], (E, FF, D), dtype=jnp.float32) * 0.02
    w_up = jax.random.normal(ks[3], (E, FF, D), dtype=jnp.float32) * 0.02
    w_down = jax.random.normal(ks[4], (E, D, FF), dtype=jnp.float32) * 0.02
    return {"x": x, "router_weight": router_weight,
            "e_score_correction_bias": e_score_correction_bias,
            "w_gate": w_gate, "w_up": w_up, "w_down": w_down}


def reference(x, router_weight, e_score_correction_bias, w_gate, w_up, w_down):
    # DeepSeek-V3 routed MoE: sigmoid router scores + bias-corrected top-k selection,
    # top-k weight normalization, SwiGLU experts executed via grouped GEMM.
    # The grouped-GEMM dispatch (sort by expert + per-group matmul) is math-equivalent
    # to the dense dispatch/combine einsum used here.
    b, s, d = x.shape
    e = w_gate.shape[0]
    x2 = x.reshape(-1, d)
    t = x2.shape[0]
    logits = x2 @ router_weight.T                          # [T, E]
    scores = jax.nn.sigmoid(logits)
    biased = scores + e_score_correction_bias[None, :]
    _, topk_idx = jax.lax.top_k(biased, K)                 # selection uses biased scores
    w = jnp.take_along_axis(scores, topk_idx, axis=1)      # weights use raw scores
    w = w / jnp.clip(jnp.sum(w, axis=1, keepdims=True), 1e-20, None)
    w = w * ROUTED_SCALING
    combine = jnp.zeros((t, e), dtype=x2.dtype).at[jnp.arange(t)[:, None], topk_idx].add(w)
    gate = jnp.einsum('td,efd->etf', x2, w_gate)
    up = jnp.einsum('td,efd->etf', x2, w_up)
    h = jax.nn.silu(gate) * up
    y = jnp.einsum('etf,edf->etd', h, w_down)
    out = jnp.einsum('etd,te->td', y, combine)
    return out.reshape(b, s, d)

if __name__ == "__main__":
    import jax
    _d = setup_inputs()
    print(jax.jit(kernel)(*tuple(_d.values())))

</pallas_src>

<mosaic_0001>
#map = affine_map<(d0, d1) -> (0, 0)>
#map1 = affine_map<(d0, d1) -> (0)>
module attributes {stable_mosaic.version = 14 : i64} {
  func.func @k(%arg0: i32, %arg1: i32, %arg2: memref<6144x1024xf32, #tpu.memory_space<hbm>>, %arg3: memref<2048xi32, #tpu.memory_space<hbm>>, %arg4: memref<2048xi32, #tpu.memory_space<hbm>>, %arg5: memref<2048x1024xf32, #tpu.memory_space<hbm>>, %arg6: memref<32x1024xf32, #tpu.memory_space<vmem>>, %arg7: memref<32x1024xf32, #tpu.memory_space<vmem>>, %arg8: memref<32xi32, #tpu.memory_space<vmem>>, %arg9: memref<32xi32, #tpu.memory_space<vmem>>, %arg10: memref<!tpu.dma_semaphore, #tpu.memory_space<semaphore_mem>>, %arg11: memref<!tpu.dma_semaphore, #tpu.memory_space<semaphore_mem>>) attributes {dimension_semantics = [#tpu.dimension_semantics<core_parallel>, #tpu.dimension_semantics<subcore_parallel>], iteration_bounds = array<i64: 2, 16>, scalar_prefetch = 0 : i64, scratch_operands = 6 : i64, tpu.core_type = #tpu.core_type<sc_vector_subcore>, window_params = [{transform_indices = #map}, {transform_indices = #map1}, {transform_indices = #map1}, {transform_indices = #map}]} {
    %mul3A = arith.constant 2 : i32
    %mul3A_0 = arith.muli %arg1, %mul3A : i32
    %add3A = arith.addi %mul3A_0, %arg0 : i32
    %mul3A_1 = arith.constant 64 : i32
    %mul3A_2 = arith.muli %add3A, %mul3A_1 : i32
    %add3A_3 = arith.constant 0 : i32
    %add3A_4 = arith.addi %mul3A_2, %add3A_3 : i32
    "tpu.region"() ({
      %run_scoped3A = tpu.sem_alloc : memref<!tpu.dma_semaphore, #tpu.memory_space<semaphore_mem>>
      %dma_start3A_44 = tpu.memref_slice %arg3[%add3A_4] : memref<2048xi32, #tpu.memory_space<hbm>> -> memref<32xi32, #tpu.memory_space<hbm>>
      %dma_start3A_45 = tpu.memref_slice %arg3[%add3A_4] : memref<2048xi32, #tpu.memory_space<hbm>> -> memref<32xi32, #tpu.memory_space<hbm>>
      tpu.enqueue_dma source(%dma_start3A_45 : memref<32xi32, #tpu.memory_space<hbm>>) target(%arg8 : memref<32xi32, #tpu.memory_space<vmem>>) target_semaphore(%run_scoped3A : memref<!tpu.dma_semaphore, #tpu.memory_space<semaphore_mem>>)
      %dma_wait3A_46 = tpu.memref_slice %arg3[%add3A_4] : memref<2048xi32, #tpu.memory_space<hbm>> -> memref<32xi32, #tpu.memory_space<hbm>>
      %dma_wait3A_47 = tpu.memref_slice %arg3[%add3A_4] : memref<2048xi32, #tpu.memory_space<hbm>> -> memref<32xi32, #tpu.memory_space<hbm>>
      tpu.wait_dma2 semaphore(%run_scoped3A : memref<!tpu.dma_semaphore, #tpu.memory_space<semaphore_mem>>) src(%dma_wait3A_47 : memref<32xi32, #tpu.memory_space<hbm>>) dst(%arg8 : memref<32xi32, #tpu.memory_space<vmem>>)
      tpu.yield
    }) : () -> ()
    "tpu.region"() ({
      %run_scoped3A = tpu.sem_alloc : memref<!tpu.dma_semaphore, #tpu.memory_space<semaphore_mem>>
      %dma_start3A_44 = tpu.memref_slice %arg4[%add3A_4] : memref<2048xi32, #tpu.memory_space<hbm>> -> memref<32xi32, #tpu.memory_space<hbm>>
      %dma_start3A_45 = tpu.memref_slice %arg4[%add3A_4] : memref<2048xi32, #tpu.memory_space<hbm>> -> memref<32xi32, #tpu.memory_space<hbm>>
      tpu.enqueue_dma source(%dma_start3A_45 : memref<32xi32, #tpu.memory_space<hbm>>) target(%arg9 : memref<32xi32, #tpu.memory_space<vmem>>) target_semaphore(%run_scoped3A : memref<!tpu.dma_semaphore, #tpu.memory_space<semaphore_mem>>)
      %dma_wait3A_46 = tpu.memref_slice %arg4[%add3A_4] : memref<2048xi32, #tpu.memory_space<hbm>> -> memref<32xi32, #tpu.memory_space<hbm>>
      %dma_wait3A_47 = tpu.memref_slice %arg4[%add3A_4] : memref<2048xi32, #tpu.memory_space<hbm>> -> memref<32xi32, #tpu.memory_space<hbm>>
      tpu.wait_dma2 semaphore(%run_scoped3A : memref<!tpu.dma_semaphore, #tpu.memory_space<semaphore_mem>>) src(%dma_wait3A_47 : memref<32xi32, #tpu.memory_space<hbm>>) dst(%arg9 : memref<32xi32, #tpu.memory_space<vmem>>)
      tpu.yield
    }) : () -> ()
    %dma_start3A = arith.constant 0 : i32
    %dma_start3A_5 = arith.constant 0 : i32
    %dma_start3A_6 = tpu.memref_slice %arg2[%dma_start3A, %dma_start3A_5] : memref<6144x1024xf32, #tpu.memory_space<hbm>> -> memref<6144x1024xf32, #tpu.memory_space<hbm>>
    tpu.enqueue_indirect_dma source(%dma_start3A_6 : memref<6144x1024xf32, #tpu.memory_space<hbm>>) target(%arg6 : memref<32x1024xf32, #tpu.memory_space<vmem>>) offsets(%arg8 : memref<32xi32, #tpu.memory_space<vmem>>) semaphore(%arg10 : memref<!tpu.dma_semaphore, #tpu.memory_space<semaphore_mem>>)
    %dma_start3A_7 = arith.constant 0 : i32
    %dma_start3A_8 = arith.constant 0 : i32
    %dma_start3A_9 = tpu.memref_slice %arg2[%dma_start3A_7, %dma_start3A_8] : memref<6144x1024xf32, #tpu.memory_space<hbm>> -> memref<6144x1024xf32, #tpu.memory_space<hbm>>
    tpu.enqueue_indirect_dma source(%dma_start3A_9 : memref<6144x1024xf32, #tpu.memory_space<hbm>>) target(%arg7 : memref<32x1024xf32, #tpu.memory_space<vmem>>) offsets(%arg9 : memref<32xi32, #tpu.memory_space<vmem>>) semaphore(%arg11 : memref<!tpu.dma_semaphore, #tpu.memory_space<semaphore_mem>>)
    %dma_wait3A = arith.constant 0 : i32
    %dma_wait3A_10 = arith.constant 0 : i32
    %dma_wait3A_11 = tpu.memref_slice %arg2[%dma_wait3A, %dma_wait3A_10] : memref<6144x1024xf32, #tpu.memory_space<hbm>> -> memref<6144x1024xf32, #tpu.memory_space<hbm>>
    tpu.wait_indirect_dma semaphore(%arg10 : memref<!tpu.dma_semaphore, #tpu.memory_space<semaphore_mem>>) src(%dma_wait3A_11 : memref<6144x1024xf32, #tpu.memory_space<hbm>>) dst(%arg6 : memref<32x1024xf32, #tpu.memory_space<vmem>>)
    %dma_wait3A_12 = arith.constant 0 : i32
    %dma_wait3A_13 = arith.constant 0 : i32
    %dma_wait3A_14 = tpu.memref_slice %arg2[%dma_wait3A_12, %dma_wait3A_13] : memref<6144x1024xf32, #tpu.memory_space<hbm>> -> memref<6144x1024xf32, #tpu.memory_space<hbm>>
    tpu.wait_indirect_dma semaphore(%arg11 : memref<!tpu.dma_semaphore, #tpu.memory_space<semaphore_mem>>) src(%dma_wait3A_14 : memref<6144x1024xf32, #tpu.memory_space<hbm>>) dst(%arg7 : memref<32x1024xf32, #tpu.memory_space<vmem>>)
    %scan3A = arith.constant 0 : i32
    %scan3A_15 = arith.constant 0 : i32
    %scan3A_16 = arith.constant 32 : i32
    %scan3A_17 = arith.addi %scan3A_15, %scan3A_16 : i32
    %scan3A_18 = arith.constant 1 : i32
    %scan3A_19 = scf.for %scan3A_44 = %scan3A_15 to %scan3A_17 step %scan3A_18 iter_args(%scan3A_45 = %scan3A) -> (i32)  : i32 {
      %scan3A_46 = arith.constant 0 : i32
      %scan3A_47 = arith.constant 0 : i32
      %scan3A_48 = arith.constant 8 : i32
      %scan3A_49 = arith.addi %scan3A_47, %scan3A_48 : i32
      %scan3A_50 = arith.constant 1 : i32
      %scan3A_51 = scf.for %scan3A_53 = %scan3A_47 to %scan3A_49 step %scan3A_50 iter_args(%scan3A_54 = %scan3A_46) -> (i32)  : i32 {
        %mul3A_55 = arith.constant 8 : i32
        %mul3A_56 = arith.muli %scan3A_53, %mul3A_55 : i32
        %add3A_57 = arith.constant 0 : i32
        %add3A_58 = arith.addi %mul3A_56, %add3A_57 : i32
        %mul3A_59 = arith.constant 16 : i32
        %mul3A_60 = arith.muli %add3A_58, %mul3A_59 : i32
        %get3A = arith.index_cast %scan3A_44 : i32 to index
        %get3A_61 = arith.index_cast %mul3A_60 : i32 to index
        %get3A_62 = tpu.vector_load %arg6[%get3A, %get3A_61] {strides = array<i32>} : memref<32x1024xf32, #tpu.memory_space<vmem>>, vector<1x16xf32>,
        %get3A_63 = vector.shape_cast %get3A_62 : vector<1x16xf32> to vector<16xf32>
        %get3A_64 = arith.index_cast %scan3A_44 : i32 to index
        %get3A_65 = arith.index_cast %mul3A_60 : i32 to index
        %get3A_66 = tpu.vector_load %arg7[%get3A_64, %get3A_65] {strides = array<i32>} : memref<32x1024xf32, #tpu.memory_space<vmem>>, vector<1x16xf32>,
        %get3A_67 = vector.shape_cast %get3A_66 : vector<1x16xf32> to vector<16xf32>
        %add3A_68 = arith.addf %get3A_63, %get3A_67 : vector<16xf32>
        %swap3A = arith.index_cast %scan3A_44 : i32 to index
        %swap3A_69 = arith.index_cast %mul3A_60 : i32 to index
        %swap3A_70 = tpu.vector_load %arg6[%swap3A, %swap3A_69] {strides = array<i32>} : memref<32x1024xf32, #tpu.memory_space<vmem>>, vector<1x16xf32>,
        %swap3A_71 = vector.shape_cast %swap3A_70 : vector<1x16xf32> to vector<16xf32>
        %swap3A_72 = vector.shape_cast %add3A_68 : vector<16xf32> to vector<1x16xf32>
        tpu.vector_store %arg6[%swap3A, %swap3A_69], %swap3A_72 {strides = array<i32>} : memref<32x1024xf32, #tpu.memory_space<vmem>>, vector<1x16xf32>,
        %mul3A_73 = arith.constant 8 : i32
        %mul3A_74 = arith.muli %scan3A_53, %mul3A_73 : i32
        %add3A_75 = arith.constant 1 : i32
        %add3A_76 = arith.addi %mul3A_74, %add3A_75 : i32
        %mul3A_77 = arith.constant 16 : i32
        %mul3A_78 = arith.muli %add3A_76, %mul3A_77 : i32
        %get3A_79 = arith.index_cast %scan3A_44 : i32 to index
        %get3A_80 = arith.index_cast %mul3A_78 : i32 to index
        %get3A_81 = tpu.vector_load %arg6[%get3A_79, %get3A_80] {strides = array<i32>} : memref<32x1024xf32, #tpu.memory_space<vmem>>, vector<1x16xf32>,
        %get3A_82 = vector.shape_cast %get3A_81 : vector<1x16xf32> to vector<16xf32>
        %get3A_83 = arith.index_cast %scan3A_44 : i32 to index
        %get3A_84 = arith.index_cast %mul3A_78 : i32 to index
        %get3A_85 = tpu.vector_load %arg7[%get3A_83, %get3A_84] {strides = array<i32>} : memref<32x1024xf32, #tpu.memory_space<vmem>>, vector<1x16xf32>,
        %get3A_86 = vector.shape_cast %get3A_85 : vector<1x16xf32> to vector<16xf32>
        %add3A_87 = arith.addf %get3A_82, %get3A_86 : vector<16xf32>
        %swap3A_88 = arith.index_cast %scan3A_44 : i32 to index
        %swap3A_89 = arith.index_cast %mul3A_78 : i32 to index
        %swap3A_90 = tpu.vector_load %arg6[%swap3A_88, %swap3A_89] {strides = array<i32>} : memref<32x1024xf32, #tpu.memory_space<vmem>>, vector<1x16xf32>,
        %swap3A_91 = vector.shape_cast %swap3A_90 : vector<1x16xf32> to vector<16xf32>
        %swap3A_92 = vector.shape_cast %add3A_87 : vector<16xf32> to vector<1x16xf32>
        tpu.vector_store %arg6[%swap3A_88, %swap3A_89], %swap3A_92 {strides = array<i32>} : memref<32x1024xf32, #tpu.memory_space<vmem>>, vector<1x16xf32>,
        %mul3A_93 = arith.constant 8 : i32
        %mul3A_94 = arith.muli %scan3A_53, %mul3A_93 : i32
        %add3A_95 = arith.constant 2 : i32
        %add3A_96 = arith.addi %mul3A_94, %add3A_95 : i32
        %mul3A_97 = arith.constant 16 : i32
        %mul3A_98 = arith.muli %add3A_96, %mul3A_97 : i32
        %get3A_99 = arith.index_cast %scan3A_44 : i32 to index
        %get3A_100 = arith.index_cast %mul3A_98 : i32 to index
        %get3A_101 = tpu.vector_load %arg6[%get3A_99, %get3A_100] {strides = array<i32>} : memref<32x1024xf32, #tpu.memory_space<vmem>>, vector<1x16xf32>,
        %get3A_102 = vector.shape_cast %get3A_101 : vector<1x16xf32> to vector<16xf32>
        %get3A_103 = arith.index_cast %scan3A_44 : i32 to index
        %get3A_104 = arith.index_cast %mul3A_98 : i32 to index
        %get3A_105 = tpu.vector_load %arg7[%get3A_103, %get3A_104] {strides = array<i32>} : memref<32x1024xf32, #tpu.memory_space<vmem>>, vector<1x16xf32>,
        %get3A_106 = vector.shape_cast %get3A_105 : vector<1x16xf32> to vector<16xf32>
        %add3A_107 = arith.addf %get3A_102, %get3A_106 : vector<16xf32>
        %swap3A_108 = arith.index_cast %scan3A_44 : i32 to index
        %swap3A_109 = arith.index_cast %mul3A_98 : i32 to index
        %swap3A_110 = tpu.vector_load %arg6[%swap3A_108, %swap3A_109] {strides = array<i32>} : memref<32x1024xf32, #tpu.memory_space<vmem>>, vector<1x16xf32>,
        %swap3A_111 = vector.shape_cast %swap3A_110 : vector<1x16xf32> to vector<16xf32>
        %swap3A_112 = vector.shape_cast %add3A_107 : vector<16xf32> to vector<1x16xf32>
        tpu.vector_store %arg6[%swap3A_108, %swap3A_109], %swap3A_112 {strides = array<i32>} : memref<32x1024xf32, #tpu.memory_space<vmem>>, vector<1x16xf32>,
        %mul3A_113 = arith.constant 8 : i32
        %mul3A_114 = arith.muli %scan3A_53, %mul3A_113 : i32
        %add3A_115 = arith.constant 3 : i32
        %add3A_116 = arith.addi %mul3A_114, %add3A_115 : i32
        %mul3A_117 = arith.constant 16 : i32
        %mul3A_118 = arith.muli %add3A_116, %mul3A_117 : i32
        %get3A_119 = arith.index_cast %scan3A_44 : i32 to index
        %get3A_120 = arith.index_cast %mul3A_118 : i32 to index
        %get3A_121 = tpu.vector_load %arg6[%get3A_119, %get3A_120] {strides = array<i32>} : memref<32x1024xf32, #tpu.memory_space<vmem>>, vector<1x16xf32>,
        %get3A_122 = vector.shape_cast %get3A_121 : vector<1x16xf32> to vector<16xf32>
        %get3A_123 = arith.index_cast %scan3A_44 : i32 to index
        %get3A_124 = arith.index_cast %mul3A_118 : i32 to index
        %get3A_125 = tpu.vector_load %arg7[%get3A_123, %get3A_124] {strides = array<i32>} : memref<32x1024xf32, #tpu.memory_space<vmem>>, vector<1x16xf32>,
        %get3A_126 = vector.shape_cast %get3A_125 : vector<1x16xf32> to vector<16xf32>
        %add3A_127 = arith.addf %get3A_122, %get3A_126 : vector<16xf32>
        %swap3A_128 = arith.index_cast %scan3A_44 : i32 to index
        %swap3A_129 = arith.index_cast %mul3A_118 : i32 to index
        %swap3A_130 = tpu.vector_load %arg6[%swap3A_128, %swap3A_129] {strides = array<i32>} : memref<32x1024xf32, #tpu.memory_space<vmem>>, vector<1x16xf32>,
        %swap3A_131 = vector.shape_cast %swap3A_130 : vector<1x16xf32> to vector<16xf32>
        %swap3A_132 = vector.shape_cast %add3A_127 : vector<16xf32> to vector<1x16xf32>
        tpu.vector_store %arg6[%swap3A_128, %swap3A_129], %swap3A_132 {strides = array<i32>} : memref<32x1024xf32, #tpu.memory_space<vmem>>, vector<1x16xf32>,
        %mul3A_133 = arith.constant 8 : i32
        %mul3A_134 = arith.muli %scan3A_53, %mul3A_133 : i32
        %add3A_135 = arith.constant 4 : i32
        %add3A_136 = arith.addi %mul3A_134, %add3A_135 : i32
        %mul3A_137 = arith.constant 16 : i32
        %mul3A_138 = arith.muli %add3A_136, %mul3A_137 : i32
        %get3A_139 = arith.index_cast %scan3A_44 : i32 to index
        %get3A_140 = arith.index_cast %mul3A_138 : i32 to index
        %get3A_141 = tpu.vector_load %arg6[%get3A_139, %get3A_140] {strides = array<i32>} : memref<32x1024xf32, #tpu.memory_space<vmem>>, vector<1x16xf32>,
        %get3A_142 = vector.shape_cast %get3A_141 : vector<1x16xf32> to vector<16xf32>
        %get3A_143 = arith.index_cast %scan3A_44 : i32 to index
        %get3A_144 = arith.index_cast %mul3A_138 : i32 to index
        %get3A_145 = tpu.vector_load %arg7[%get3A_143, %get3A_144] {strides = array<i32>} : memref<32x1024xf32, #tpu.memory_space<vmem>>, vector<1x16xf32>,
        %get3A_146 = vector.shape_cast %get3A_145 : vector<1x16xf32> to vector<16xf32>
        %add3A_147 = arith.addf %get3A_142, %get3A_146 : vector<16xf32>
        %swap3A_148 = arith.index_cast %scan3A_44 : i32 to index
        %swap3A_149 = arith.index_cast %mul3A_138 : i32 to index
        %swap3A_150 = tpu.vector_load %arg6[%swap3A_148, %swap3A_149] {strides = array<i32>} : memref<32x1024xf32, #tpu.memory_space<vmem>>, vector<1x16xf32>,
        %swap3A_151 = vector.shape_cast %swap3A_150 : vector<1x16xf32> to vector<16xf32>
        %swap3A_152 = vector.shape_cast %add3A_147 : vector<16xf32> to vector<1x16xf32>
        tpu.vector_store %arg6[%swap3A_148, %swap3A_149], %swap3A_152 {strides = array<i32>} : memref<32x1024xf32, #tpu.memory_space<vmem>>, vector<1x16xf32>,
        %mul3A_153 = arith.constant 8 : i32
        %mul3A_154 = arith.muli %scan3A_53, %mul3A_153 : i32
        %add3A_155 = arith.constant 5 : i32
        %add3A_156 = arith.addi %mul3A_154, %add3A_155 : i32
        %mul3A_157 = arith.constant 16 : i32
        %mul3A_158 = arith.muli %add3A_156, %mul3A_157 : i32
        %get3A_159 = arith.index_cast %scan3A_44 : i32 to index
        %get3A_160 = arith.index_cast %mul3A_158 : i32 to index
        %get3A_161 = tpu.vector_load %arg6[%get3A_159, %get3A_160] {strides = array<i32>} : memref<32x1024xf32, #tpu.memory_space<vmem>>, vector<1x16xf32>,
        %get3A_162 = vector.shape_cast %get3A_161 : vector<1x16xf32> to vector<16xf32>
        %get3A_163 = arith.index_cast %scan3A_44 : i32 to index
        %get3A_164 = arith.index_cast %mul3A_158 : i32 to index
        %get3A_165 = tpu.vector_load %arg7[%get3A_163, %get3A_164] {strides = array<i32>} : memref<32x1024xf32, #tpu.memory_space<vmem>>, vector<1x16xf32>,
        %get3A_166 = vector.shape_cast %get3A_165 : vector<1x16xf32> to vector<16xf32>
        %add3A_167 = arith.addf %get3A_162, %get3A_166 : vector<16xf32>
        %swap3A_168 = arith.index_cast %scan3A_44 : i32 to index
        %swap3A_169 = arith.index_cast %mul3A_158 : i32 to index
        %swap3A_170 = tpu.vector_load %arg6[%swap3A_168, %swap3A_169] {strides = array<i32>} : memref<32x1024xf32, #tpu.memory_space<vmem>>, vector<1x16xf32>,
        %swap3A_171 = vector.shape_cast %swap3A_170 : vector<1x16xf32> to vector<16xf32>
        %swap3A_172 = vector.shape_cast %add3A_167 : vector<16xf32> to vector<1x16xf32>
        tpu.vector_store %arg6[%swap3A_168, %swap3A_169], %swap3A_172 {strides = array<i32>} : memref<32x1024xf32, #tpu.memory_space<vmem>>, vector<1x16xf32>,
        %mul3A_173 = arith.constant 8 : i32
        %mul3A_174 = arith.muli %scan3A_53, %mul3A_173 : i32
        %add3A_175 = arith.constant 6 : i32
        %add3A_176 = arith.addi %mul3A_174, %add3A_175 : i32
        %mul3A_177 = arith.constant 16 : i32
        %mul3A_178 = arith.muli %add3A_176, %mul3A_177 : i32
        %get3A_179 = arith.index_cast %scan3A_44 : i32 to index
        %get3A_180 = arith.index_cast %mul3A_178 : i32 to index
        %get3A_181 = tpu.vector_load %arg6[%get3A_179, %get3A_180] {strides = array<i32>} : memref<32x1024xf32, #tpu.memory_space<vmem>>, vector<1x16xf32>,
        %get3A_182 = vector.shape_cast %get3A_181 : vector<1x16xf32> to vector<16xf32>
        %get3A_183 = arith.index_cast %scan3A_44 : i32 to index
        %get3A_184 = arith.index_cast %mul3A_178 : i32 to index
        %get3A_185 = tpu.vector_load %arg7[%get3A_183, %get3A_184] {strides = array<i32>} : memref<32x1024xf32, #tpu.memory_space<vmem>>, vector<1x16xf32>,
        %get3A_186 = vector.shape_cast %get3A_185 : vector<1x16xf32> to vector<16xf32>
        %add3A_187 = arith.addf %get3A_182, %get3A_186 : vector<16xf32>
        %swap3A_188 = arith.index_cast %scan3A_44 : i32 to index
        %swap3A_189 = arith.index_cast %mul3A_178 : i32 to index
        %swap3A_190 = tpu.vector_load %arg6[%swap3A_188, %swap3A_189] {strides = array<i32>} : memref<32x1024xf32, #tpu.memory_space<vmem>>, vector<1x16xf32>,
        %swap3A_191 = vector.shape_cast %swap3A_190 : vector<1x16xf32> to vector<16xf32>
        %swap3A_192 = vector.shape_cast %add3A_187 : vector<16xf32> to vector<1x16xf32>
        tpu.vector_store %arg6[%swap3A_188, %swap3A_189], %swap3A_192 {strides = array<i32>} : memref<32x1024xf32, #tpu.memory_space<vmem>>, vector<1x16xf32>,
        %mul3A_193 = arith.constant 8 : i32
        %mul3A_194 = arith.muli %scan3A_53, %mul3A_193 : i32
        %add3A_195 = arith.constant 7 : i32
        %add3A_196 = arith.addi %mul3A_194, %add3A_195 : i32
        %mul3A_197 = arith.constant 16 : i32
        %mul3A_198 = arith.muli %add3A_196, %mul3A_197 : i32
        %get3A_199 = arith.index_cast %scan3A_44 : i32 to index
        %get3A_200 = arith.index_cast %mul3A_198 : i32 to index
        %get3A_201 = tpu.vector_load %arg6[%get3A_199, %get3A_200] {strides = array<i32>} : memref<32x1024xf32, #tpu.memory_space<vmem>>, vector<1x16xf32>,
        %get3A_202 = vector.shape_cast %get3A_201 : vector<1x16xf32> to vector<16xf32>
        %get3A_203 = arith.index_cast %scan3A_44 : i32 to index
        %get3A_204 = arith.index_cast %mul3A_198 : i32 to index
        %get3A_205 = tpu.vector_load %arg7[%get3A_203, %get3A_204] {strides = array<i32>} : memref<32x1024xf32, #tpu.memory_space<vmem>>, vector<1x16xf32>,
        %get3A_206 = vector.shape_cast %get3A_205 : vector<1x16xf32> to vector<16xf32>
        %add3A_207 = arith.addf %get3A_202, %get3A_206 : vector<16xf32>
        %swap3A_208 = arith.index_cast %scan3A_44 : i32 to index
        %swap3A_209 = arith.index_cast %mul3A_198 : i32 to index
        %swap3A_210 = tpu.vector_load %arg6[%swap3A_208, %swap3A_209] {strides = array<i32>} : memref<32x1024xf32, #tpu.memory_space<vmem>>, vector<1x16xf32>,
        %swap3A_211 = vector.shape_cast %swap3A_210 : vector<1x16xf32> to vector<16xf32>
        %swap3A_212 = vector.shape_cast %add3A_207 : vector<16xf32> to vector<1x16xf32>
        tpu.vector_store %arg6[%swap3A_208, %swap3A_209], %swap3A_212 {strides = array<i32>} : memref<32x1024xf32, #tpu.memory_space<vmem>>, vector<1x16xf32>,
        %scan3A_213 = arith.constant 0 : i32
        scf.yield %scan3A_213 : i32
      }
      %scan3A_52 = arith.constant 8 : i32
      scf.yield %scan3A_51 : i32
    }
    %scan3A_20 = arith.constant 32 : i32
    "tpu.region"() ({
      %run_scoped3A = tpu.sem_alloc : memref<!tpu.dma_semaphore, #tpu.memory_space<semaphore_mem>>
      %dma_start3A_44 = arith.constant 0 : i32
      %dma_start3A_45 = tpu.memref_slice %arg5[%add3A_4, %dma_start3A_44] : memref<2048x1024xf32, #tpu.memory_space<hbm>> -> memref<32x1024xf32, #tpu.memory_space<hbm>>
      %dma_start3A_46 = arith.constant 0 : i32
      %dma_start3A_47 = tpu.memref_slice %arg5[%add3A_4, %dma_start3A_46] : memref<2048x1024xf32, #tpu.memory_space<hbm>> -> memref<32x1024xf32, #tpu.memory_space<hbm>>
      tpu.enqueue_dma source(%arg6 : memref<32x1024xf32, #tpu.memory_space<vmem>>) target(%dma_start3A_47 : memref<32x1024xf32, #tpu.memory_space<hbm>>) target_semaphore(%run_scoped3A : memref<!tpu.dma_semaphore, #tpu.memory_space<semaphore_mem>>)
      %dma_wait3A_48 = arith.constant 0 : i32
      %dma_wait3A_49 = tpu.memref_slice %arg5[%add3A_4, %dma_wait3A_48] : memref<2048x1024xf32, #tpu.memory_space<hbm>> -> memref<32x1024xf32, #tpu.memory_space<hbm>>
      %dma_wait3A_50 = arith.constant 0 : i32
      %dma_wait3A_51 = tpu.memref_slice %arg5[%add3A_4, %dma_wait3A_50] : memref<2048x1024xf32, #tpu.memory_space<hbm>> -> memref<32x1024xf32, #tpu.memory_space<hbm>>
      tpu.wait_dma2 semaphore(%run_scoped3A : memref<!tpu.dma_semaphore, #tpu.memory_space<semaphore_mem>>) src(%arg6 : memref<32x1024xf32, #tpu.memory_space<vmem>>) dst(%dma_wait3A_51 : memref<32x1024xf32, #tpu.memory_space<hbm>>)
      tpu.yield
    }) : () -> ()
    %mul3A_21 = arith.constant 64 : i32
    %mul3A_22 = arith.muli %add3A, %mul3A_21 : i32
    %add3A_23 = arith.constant 32 : i32
    %add3A_24 = arith.addi %mul3A_22, %add3A_23 : i32
    "tpu.region"() ({
      %run_scoped3A = tpu.sem_alloc : memref<!tpu.dma_semaphore, #tpu.memory_space<semaphore_mem>>
      %dma_start3A_44 = tpu.memref_slice %arg3[%add3A_24] : memref<2048xi32, #tpu.memory_space<hbm>> -> memref<32xi32, #tpu.memory_space<hbm>>
      %dma_start3A_45 = tpu.memref_slice %arg3[%add3A_24] : memref<2048xi32, #tpu.memory_space<hbm>> -> memref<32xi32, #tpu.memory_space<hbm>>
      tpu.enqueue_dma source(%dma_start3A_45 : memref<32xi32, #tpu.memory_space<hbm>>) target(%arg8 : memref<32xi32, #tpu.memory_space<vmem>>) target_semaphore(%run_scoped3A : memref<!tpu.dma_semaphore, #tpu.memory_space<semaphore_mem>>)
      %dma_wait3A_46 = tpu.memref_slice %arg3[%add3A_24] : memref<2048xi32, #tpu.memory_space<hbm>> -> memref<32xi32, #tpu.memory_space<hbm>>
      %dma_wait3A_47 = tpu.memref_slice %arg3[%add3A_24] : memref<2048xi32, #tpu.memory_space<hbm>> -> memref<32xi32, #tpu.memory_space<hbm>>
      tpu.wait_dma2 semaphore(%run_scoped3A : memref<!tpu.dma_semaphore, #tpu.memory_space<semaphore_mem>>) src(%dma_wait3A_47 : memref<32xi32, #tpu.memory_space<hbm>>) dst(%arg8 : memref<32xi32, #tpu.memory_space<vmem>>)
      tpu.yield
    }) : () -> ()
    "tpu.region"() ({
      %run_scoped3A = tpu.sem_alloc : memref<!tpu.dma_semaphore, #tpu.memory_space<semaphore_mem>>
      %dma_start3A_44 = tpu.memref_slice %arg4[%add3A_24] : memref<2048xi32, #tpu.memory_space<hbm>> -> memref<32xi32, #tpu.memory_space<hbm>>
      %dma_start3A_45 = tpu.memref_slice %arg4[%add3A_24] : memref<2048xi32, #tpu.memory_space<hbm>> -> memref<32xi32, #tpu.memory_space<hbm>>
      tpu.enqueue_dma source(%dma_start3A_45 : memref<32xi32, #tpu.memory_space<hbm>>) target(%arg9 : memref<32xi32, #tpu.memory_space<vmem>>) target_semaphore(%run_scoped3A : memref<!tpu.dma_semaphore, #tpu.memory_space<semaphore_mem>>)
      %dma_wait3A_46 = tpu.memref_slice %arg4[%add3A_24] : memref<2048xi32, #tpu.memory_space<hbm>> -> memref<32xi32, #tpu.memory_space<hbm>>
      %dma_wait3A_47 = tpu.memref_slice %arg4[%add3A_24] : memref<2048xi32, #tpu.memory_space<hbm>> -> memref<32xi32, #tpu.memory_space<hbm>>
      tpu.wait_dma2 semaphore(%run_scoped3A : memref<!tpu.dma_semaphore, #tpu.memory_space<semaphore_mem>>) src(%dma_wait3A_47 : memref<32xi32, #tpu.memory_space<hbm>>) dst(%arg9 : memref<32xi32, #tpu.memory_space<vmem>>)
      tpu.yield
    }) : () -> ()
    %dma_start3A_25 = arith.constant 0 : i32
    %dma_start3A_26 = arith.constant 0 : i32
    %dma_start3A_27 = tpu.memref_slice %arg2[%dma_start3A_25, %dma_start3A_26] : memref<6144x1024xf32, #tpu.memory_space<hbm>> -> memref<6144x1024xf32, #tpu.memory_space<hbm>>
    tpu.enqueue_indirect_dma source(%dma_start3A_27 : memref<6144x1024xf32, #tpu.memory_space<hbm>>) target(%arg6 : memref<32x1024xf32, #tpu.memory_space<vmem>>) offsets(%arg8 : memref<32xi32, #tpu.memory_space<vmem>>) semaphore(%arg10 : memref<!tpu.dma_semaphore, #tpu.memory_space<semaphore_mem>>)
    %dma_start3A_28 = arith.constant 0 : i32
    %dma_start3A_29 = arith.constant 0 : i32
    %dma_start3A_30 = tpu.memref_slice %arg2[%dma_start3A_28, %dma_start3A_29] : memref<6144x1024xf32, #tpu.memory_space<hbm>> -> memref<6144x1024xf32, #tpu.memory_space<hbm>>
    tpu.enqueue_indirect_dma source(%dma_start3A_30 : memref<6144x1024xf32, #tpu.memory_space<hbm>>) target(%arg7 : memref<32x1024xf32, #tpu.memory_space<vmem>>) offsets(%arg9 : memref<32xi32, #tpu.memory_space<vmem>>) semaphore(%arg11 : memref<!tpu.dma_semaphore, #tpu.memory_space<semaphore_mem>>)
    %dma_wait3A_31 = arith.constant 0 : i32
    %dma_wait3A_32 = arith.constant 0 : i32
    %dma_wait3A_33 = tpu.memref_slice %arg2[%dma_wait3A_31, %dma_wait3A_32] : memref<6144x1024xf32, #tpu.memory_space<hbm>> -> memref<6144x1024xf32, #tpu.memory_space<hbm>>
    tpu.wait_indirect_dma semaphore(%arg10 : memref<!tpu.dma_semaphore, #tpu.memory_space<semaphore_mem>>) src(%dma_wait3A_33 : memref<6144x1024xf32, #tpu.memory_space<hbm>>) dst(%arg6 : memref<32x1024xf32, #tpu.memory_space<vmem>>)
    %dma_wait3A_34 = arith.constant 0 : i32
    %dma_wait3A_35 = arith.constant 0 : i32
    %dma_wait3A_36 = tpu.memref_slice %arg2[%dma_wait3A_34, %dma_wait3A_35] : memref<6144x1024xf32, #tpu.memory_space<hbm>> -> memref<6144x1024xf32, #tpu.memory_space<hbm>>
    tpu.wait_indirect_dma semaphore(%arg11 : memref<!tpu.dma_semaphore, #tpu.memory_space<semaphore_mem>>) src(%dma_wait3A_36 : memref<6144x1024xf32, #tpu.memory_space<hbm>>) dst(%arg7 : memref<32x1024xf32, #tpu.memory_space<vmem>>)
    %scan3A_37 = arith.constant 0 : i32
    %scan3A_38 = arith.constant 0 : i32
    %scan3A_39 = arith.constant 32 : i32
    %scan3A_40 = arith.addi %scan3A_38, %scan3A_39 : i32
    %scan3A_41 = arith.constant 1 : i32
    %scan3A_42 = scf.for %scan3A_44 = %scan3A_38 to %scan3A_40 step %scan3A_41 iter_args(%scan3A_45 = %scan3A_37) -> (i32)  : i32 {
      %scan3A_46 = arith.constant 0 : i32
      %scan3A_47 = arith.constant 0 : i32
      %scan3A_48 = arith.constant 8 : i32
      %scan3A_49 = arith.addi %scan3A_47, %scan3A_48 : i32
      %scan3A_50 = arith.constant 1 : i32
      %scan3A_51 = scf.for %scan3A_53 = %scan3A_47 to %scan3A_49 step %scan3A_50 iter_args(%scan3A_54 = %scan3A_46) -> (i32)  : i32 {
        %mul3A_55 = arith.constant 8 : i32
        %mul3A_56 = arith.muli %scan3A_53, %mul3A_55 : i32
        %add3A_57 = arith.constant 0 : i32
        %add3A_58 = arith.addi %mul3A_56, %add3A_57 : i32
        %mul3A_59 = arith.constant 16 : i32
        %mul3A_60 = arith.muli %add3A_58, %mul3A_59 : i32
        %get3A = arith.index_cast %scan3A_44 : i32 to index
        %get3A_61 = arith.index_cast %mul3A_60 : i32 to index
        %get3A_62 = tpu.vector_load %arg6[%get3A, %get3A_61] {strides = array<i32>} : memref<32x1024xf32, #tpu.memory_space<vmem>>, vector<1x16xf32>,
        %get3A_63 = vector.shape_cast %get3A_62 : vector<1x16xf32> to vector<16xf32>
        %get3A_64 = arith.index_cast %scan3A_44 : i32 to index
        %get3A_65 = arith.index_cast %mul3A_60 : i32 to index
        %get3A_66 = tpu.vector_load %arg7[%get3A_64, %get3A_65] {strides = array<i32>} : memref<32x1024xf32, #tpu.memory_space<vmem>>, vector<1x16xf32>,
        %get3A_67 = vector.shape_cast %get3A_66 : vector<1x16xf32> to vector<16xf32>
        %add3A_68 = arith.addf %get3A_63, %get3A_67 : vector<16xf32>
        %swap3A = arith.index_cast %scan3A_44 : i32 to index
        %swap3A_69 = arith.index_cast %mul3A_60 : i32 to index
        %swap3A_70 = tpu.vector_load %arg6[%swap3A, %swap3A_69] {strides = array<i32>} : memref<32x1024xf32, #tpu.memory_space<vmem>>, vector<1x16xf32>,
        %swap3A_71 = vector.shape_cast %swap3A_70 : vector<1x16xf32> to vector<16xf32>
        %swap3A_72 = vector.shape_cast %add3A_68 : vector<16xf32> to vector<1x16xf32>
        tpu.vector_store %arg6[%swap3A, %swap3A_69], %swap3A_72 {strides = array<i32>} : memref<32x1024xf32, #tpu.memory_space<vmem>>, vector<1x16xf32>,
        %mul3A_73 = arith.constant 8 : i32
        %mul3A_74 = arith.muli %scan3A_53, %mul3A_73 : i32
        %add3A_75 = arith.constant 1 : i32
        %add3A_76 = arith.addi %mul3A_74, %add3A_75 : i32
        %mul3A_77 = arith.constant 16 : i32
        %mul3A_78 = arith.muli %add3A_76, %mul3A_77 : i32
        %get3A_79 = arith.index_cast %scan3A_44 : i32 to index
        %get3A_80 = arith.index_cast %mul3A_78 : i32 to index
        %get3A_81 = tpu.vector_load %arg6[%get3A_79, %get3A_80] {strides = array<i32>} : memref<32x1024xf32, #tpu.memory_space<vmem>>, vector<1x16xf32>,
        %get3A_82 = vector.shape_cast %get3A_81 : vector<1x16xf32> to vector<16xf32>
        %get3A_83 = arith.index_cast %scan3A_44 : i32 to index
        %get3A_84 = arith.index_cast %mul3A_78 : i32 to index
        %get3A_85 = tpu.vector_load %arg7[%get3A_83, %get3A_84] {strides = array<i32>} : memref<32x1024xf32, #tpu.memory_space<vmem>>, vector<1x16xf32>,
        %get3A_86 = vector.shape_cast %get3A_85 : vector<1x16xf32> to vector<16xf32>
        %add3A_87 = arith.addf %get3A_82, %get3A_86 : vector<16xf32>
        %swap3A_88 = arith.index_cast %scan3A_44 : i32 to index
        %swap3A_89 = arith.index_cast %mul3A_78 : i32 to index
        %swap3A_90 = tpu.vector_load %arg6[%swap3A_88, %swap3A_89] {strides = array<i32>} : memref<32x1024xf32, #tpu.memory_space<vmem>>, vector<1x16xf32>,
        %swap3A_91 = vector.shape_cast %swap3A_90 : vector<1x16xf32> to vector<16xf32>
        %swap3A_92 = vector.shape_cast %add3A_87 : vector<16xf32> to vector<1x16xf32>
        tpu.vector_store %arg6[%swap3A_88, %swap3A_89], %swap3A_92 {strides = array<i32>} : memref<32x1024xf32, #tpu.memory_space<vmem>>, vector<1x16xf32>,
        %mul3A_93 = arith.constant 8 : i32
        %mul3A_94 = arith.muli %scan3A_53, %mul3A_93 : i32
        %add3A_95 = arith.constant 2 : i32
        %add3A_96 = arith.addi %mul3A_94, %add3A_95 : i32
        %mul3A_97 = arith.constant 16 : i32
        %mul3A_98 = arith.muli %add3A_96, %mul3A_97 : i32
        %get3A_99 = arith.index_cast %scan3A_44 : i32 to index
        %get3A_100 = arith.index_cast %mul3A_98 : i32 to index
        %get3A_101 = tpu.vector_load %arg6[%get3A_99, %get3A_100] {strides = array<i32>} : memref<32x1024xf32, #tpu.memory_space<vmem>>, vector<1x16xf32>,
        %get3A_102 = vector.shape_cast %get3A_101 : vector<1x16xf32> to vector<16xf32>
        %get3A_103 = arith.index_cast %scan3A_44 : i32 to index
        %get3A_104 = arith.index_cast %mul3A_98 : i32 to index
        %get3A_105 = tpu.vector_load %arg7[%get3A_103, %get3A_104] {strides = array<i32>} : memref<32x1024xf32, #tpu.memory_space<vmem>>, vector<1x16xf32>,
        %get3A_106 = vector.shape_cast %get3A_105 : vector<1x16xf32> to vector<16xf32>
        %add3A_107 = arith.addf %get3A_102, %get3A_106 : vector<16xf32>
        %swap3A_108 = arith.index_cast %scan3A_44 : i32 to index
        %swap3A_109 = arith.index_cast %mul3A_98 : i32 to index
        %swap3A_110 = tpu.vector_load %arg6[%swap3A_108, %swap3A_109] {strides = array<i32>} : memref<32x1024xf32, #tpu.memory_space<vmem>>, vector<1x16xf32>,
        %swap3A_111 = vector.shape_cast %swap3A_110 : vector<1x16xf32> to vector<16xf32>
        %swap3A_112 = vector.shape_cast %add3A_107 : vector<16xf32> to vector<1x16xf32>
        tpu.vector_store %arg6[%swap3A_108, %swap3A_109], %swap3A_112 {strides = array<i32>} : memref<32x1024xf32, #tpu.memory_space<vmem>>, vector<1x16xf32>,
        %mul3A_113 = arith.constant 8 : i32
        %mul3A_114 = arith.muli %scan3A_53, %mul3A_113 : i32
        %add3A_115 = arith.constant 3 : i32
        %add3A_116 = arith.addi %mul3A_114, %add3A_115 : i32
        %mul3A_117 = arith.constant 16 : i32
        %mul3A_118 = arith.muli %add3A_116, %mul3A_117 : i32
        %get3A_119 = arith.index_cast %scan3A_44 : i32 to index
        %get3A_120 = arith.index_cast %mul3A_118 : i32 to index
        %get3A_121 = tpu.vector_load %arg6[%get3A_119, %get3A_120] {strides = array<i32>} : memref<32x1024xf32, #tpu.memory_space<vmem>>, vector<1x16xf32>,
        %get3A_122 = vector.shape_cast %get3A_121 : vector<1x16xf32> to vector<16xf32>
        %get3A_123 = arith.index_cast %scan3A_44 : i32 to index
        %get3A_124 = arith.index_cast %mul3A_118 : i32 to index
        %get3A_125 = tpu.vector_load %arg7[%get3A_123, %get3A_124] {strides = array<i32>} : memref<32x1024xf32, #tpu.memory_space<vmem>>, vector<1x16xf32>,
        %get3A_126 = vector.shape_cast %get3A_125 : vector<1x16xf32> to vector<16xf32>
        %add3A_127 = arith.addf %get3A_122, %get3A_126 : vector<16xf32>
        %swap3A_128 = arith.index_cast %scan3A_44 : i32 to index
        %swap3A_129 = arith.index_cast %mul3A_118 : i32 to index
        %swap3A_130 = tpu.vector_load %arg6[%swap3A_128, %swap3A_129] {strides = array<i32>} : memref<32x1024xf32, #tpu.memory_space<vmem>>, vector<1x16xf32>,
        %swap3A_131 = vector.shape_cast %swap3A_130 : vector<1x16xf32> to vector<16xf32>
        %swap3A_132 = vector.shape_cast %add3A_127 : vector<16xf32> to vector<1x16xf32>
        tpu.vector_store %arg6[%swap3A_128, %swap3A_129], %swap3A_132 {strides = array<i32>} : memref<32x1024xf32, #tpu.memory_space<vmem>>, vector<1x16xf32>,
        %mul3A_133 = arith.constant 8 : i32
        %mul3A_134 = arith.muli %scan3A_53, %mul3A_133 : i32
        %add3A_135 = arith.constant 4 : i32
        %add3A_136 = arith.addi %mul3A_134, %add3A_135 : i32
        %mul3A_137 = arith.constant 16 : i32
        %mul3A_138 = arith.muli %add3A_136, %mul3A_137 : i32
        %get3A_139 = arith.index_cast %scan3A_44 : i32 to index
        %get3A_140 = arith.index_cast %mul3A_138 : i32 to index
        %get3A_141 = tpu.vector_load %arg6[%get3A_139, %get3A_140] {strides = array<i32>} : memref<32x1024xf32, #tpu.memory_space<vmem>>, vector<1x16xf32>,
        %get3A_142 = vector.shape_cast %get3A_141 : vector<1x16xf32> to vector<16xf32>
        %get3A_143 = arith.index_cast %scan3A_44 : i32 to index
        %get3A_144 = arith.index_cast %mul3A_138 : i32 to index
        %get3A_145 = tpu.vector_load %arg7[%get3A_143, %get3A_144] {strides = array<i32>} : memref<32x1024xf32, #tpu.memory_space<vmem>>, vector<1x16xf32>,
        %get3A_146 = vector.shape_cast %get3A_145 : vector<1x16xf32> to vector<16xf32>
        %add3A_147 = arith.addf %get3A_142, %get3A_146 : vector<16xf32>
        %swap3A_148 = arith.index_cast %scan3A_44 : i32 to index
        %swap3A_149 = arith.index_cast %mul3A_138 : i32 to index
        %swap3A_150 = tpu.vector_load %arg6[%swap3A_148, %swap3A_149] {strides = array<i32>} : memref<32x1024xf32, #tpu.memory_space<vmem>>, vector<1x16xf32>,
        %swap3A_151 = vector.shape_cast %swap3A_150 : vector<1x16xf32> to vector<16xf32>
        %swap3A_152 = vector.shape_cast %add3A_147 : vector<16xf32> to vector<1x16xf32>
        tpu.vector_store %arg6[%swap3A_148, %swap3A_149], %swap3A_152 {strides = array<i32>} : memref<32x1024xf32, #tpu.memory_space<vmem>>, vector<1x16xf32>,
        %mul3A_153 = arith.constant 8 : i32
        %mul3A_154 = arith.muli %scan3A_53, %mul3A_153 : i32
        %add3A_155 = arith.constant 5 : i32
        %add3A_156 = arith.addi %mul3A_154, %add3A_155 : i32
        %mul3A_157 = arith.constant 16 : i32
        %mul3A_158 = arith.muli %add3A_156, %mul3A_157 : i32
        %get3A_159 = arith.index_cast %scan3A_44 : i32 to index
        %get3A_160 = arith.index_cast %mul3A_158 : i32 to index
        %get3A_161 = tpu.vector_load %arg6[%get3A_159, %get3A_160] {strides = array<i32>} : memref<32x1024xf32, #tpu.memory_space<vmem>>, vector<1x16xf32>,
        %get3A_162 = vector.shape_cast %get3A_161 : vector<1x16xf32> to vector<16xf32>
        %get3A_163 = arith.index_cast %scan3A_44 : i32 to index
        %get3A_164 = arith.index_cast %mul3A_158 : i32 to index
        %get3A_165 = tpu.vector_load %arg7[%get3A_163, %get3A_164] {strides = array<i32>} : memref<32x1024xf32, #tpu.memory_space<vmem>>, vector<1x16xf32>,
        %get3A_166 = vector.shape_cast %get3A_165 : vector<1x16xf32> to vector<16xf32>
        %add3A_167 = arith.addf %get3A_162, %get3A_166 : vector<16xf32>
        %swap3A_168 = arith.index_cast %scan3A_44 : i32 to index
        %swap3A_169 = arith.index_cast %mul3A_158 : i32 to index
        %swap3A_170 = tpu.vector_load %arg6[%swap3A_168, %swap3A_169] {strides = array<i32>} : memref<32x1024xf32, #tpu.memory_space<vmem>>, vector<1x16xf32>,
        %swap3A_171 = vector.shape_cast %swap3A_170 : vector<1x16xf32> to vector<16xf32>
        %swap3A_172 = vector.shape_cast %add3A_167 : vector<16xf32> to vector<1x16xf32>
        tpu.vector_store %arg6[%swap3A_168, %swap3A_169], %swap3A_172 {strides = array<i32>} : memref<32x1024xf32, #tpu.memory_space<vmem>>, vector<1x16xf32>,
        %mul3A_173 = arith.constant 8 : i32
        %mul3A_174 = arith.muli %scan3A_53, %mul3A_173 : i32
        %add3A_175 = arith.constant 6 : i32
        %add3A_176 = arith.addi %mul3A_174, %add3A_175 : i32
        %mul3A_177 = arith.constant 16 : i32
        %mul3A_178 = arith.muli %add3A_176, %mul3A_177 : i32
        %get3A_179 = arith.index_cast %scan3A_44 : i32 to index
        %get3A_180 = arith.index_cast %mul3A_178 : i32 to index
        %get3A_181 = tpu.vector_load %arg6[%get3A_179, %get3A_180] {strides = array<i32>} : memref<32x1024xf32, #tpu.memory_space<vmem>>, vector<1x16xf32>,
        %get3A_182 = vector.shape_cast %get3A_181 : vector<1x16xf32> to vector<16xf32>
        %get3A_183 = arith.index_cast %scan3A_44 : i32 to index
        %get3A_184 = arith.index_cast %mul3A_178 : i32 to index
        %get3A_185 = tpu.vector_load %arg7[%get3A_183, %get3A_184] {strides = array<i32>} : memref<32x1024xf32, #tpu.memory_space<vmem>>, vector<1x16xf32>,
        %get3A_186 = vector.shape_cast %get3A_185 : vector<1x16xf32> to vector<16xf32>
        %add3A_187 = arith.addf %get3A_182, %get3A_186 : vector<16xf32>
        %swap3A_188 = arith.index_cast %scan3A_44 : i32 to index
        %swap3A_189 = arith.index_cast %mul3A_178 : i32 to index
        %swap3A_190 = tpu.vector_load %arg6[%swap3A_188, %swap3A_189] {strides = array<i32>} : memref<32x1024xf32, #tpu.memory_space<vmem>>, vector<1x16xf32>,
        %swap3A_191 = vector.shape_cast %swap3A_190 : vector<1x16xf32> to vector<16xf32>
        %swap3A_192 = vector.shape_cast %add3A_187 : vector<16xf32> to vector<1x16xf32>
        tpu.vector_store %arg6[%swap3A_188, %swap3A_189], %swap3A_192 {strides = array<i32>} : memref<32x1024xf32, #tpu.memory_space<vmem>>, vector<1x16xf32>,
        %mul3A_193 = arith.constant 8 : i32
        %mul3A_194 = arith.muli %scan3A_53, %mul3A_193 : i32
        %add3A_195 = arith.constant 7 : i32
        %add3A_196 = arith.addi %mul3A_194, %add3A_195 : i32
        %mul3A_197 = arith.constant 16 : i32
        %mul3A_198 = arith.muli %add3A_196, %mul3A_197 : i32
        %get3A_199 = arith.index_cast %scan3A_44 : i32 to index
        %get3A_200 = arith.index_cast %mul3A_198 : i32 to index
        %get3A_201 = tpu.vector_load %arg6[%get3A_199, %get3A_200] {strides = array<i32>} : memref<32x1024xf32, #tpu.memory_space<vmem>>, vector<1x16xf32>,
        %get3A_202 = vector.shape_cast %get3A_201 : vector<1x16xf32> to vector<16xf32>
        %get3A_203 = arith.index_cast %scan3A_44 : i32 to index
        %get3A_204 = arith.index_cast %mul3A_198 : i32 to index
        %get3A_205 = tpu.vector_load %arg7[%get3A_203, %get3A_204] {strides = array<i32>} : memref<32x1024xf32, #tpu.memory_space<vmem>>, vector<1x16xf32>,
        %get3A_206 = vector.shape_cast %get3A_205 : vector<1x16xf32> to vector<16xf32>
        %add3A_207 = arith.addf %get3A_202, %get3A_206 : vector<16xf32>
        %swap3A_208 = arith.index_cast %scan3A_44 : i32 to index
        %swap3A_209 = arith.index_cast %mul3A_198 : i32 to index
        %swap3A_210 = tpu.vector_load %arg6[%swap3A_208, %swap3A_209] {strides = array<i32>} : memref<32x1024xf32, #tpu.memory_space<vmem>>, vector<1x16xf32>,
        %swap3A_211 = vector.shape_cast %swap3A_210 : vector<1x16xf32> to vector<16xf32>
        %swap3A_212 = vector.shape_cast %add3A_207 : vector<16xf32> to vector<1x16xf32>
        tpu.vector_store %arg6[%swap3A_208, %swap3A_209], %swap3A_212 {strides = array<i32>} : memref<32x1024xf32, #tpu.memory_space<vmem>>, vector<1x16xf32>,
        %scan3A_213 = arith.constant 0 : i32
        scf.yield %scan3A_213 : i32
      }
      %scan3A_52 = arith.constant 8 : i32
      scf.yield %scan3A_51 : i32
    }
    %scan3A_43 = arith.constant 32 : i32
    "tpu.region"() ({
      %run_scoped3A = tpu.sem_alloc : memref<!tpu.dma_semaphore, #tpu.memory_space<semaphore_mem>>
      %dma_start3A_44 = arith.constant 0 : i32
      %dma_start3A_45 = tpu.memref_slice %arg5[%add3A_24, %dma_start3A_44] : memref<2048x1024xf32, #tpu.memory_space<hbm>> -> memref<32x1024xf32, #tpu.memory_space<hbm>>
      %dma_start3A_46 = arith.constant 0 : i32
      %dma_start3A_47 = tpu.memref_slice %arg5[%add3A_24, %dma_start3A_46] : memref<2048x1024xf32, #tpu.memory_space<hbm>> -> memref<32x1024xf32, #tpu.memory_space<hbm>>
      tpu.enqueue_dma source(%arg6 : memref<32x1024xf32, #tpu.memory_space<vmem>>) target(%dma_start3A_47 : memref<32x1024xf32, #tpu.memory_space<hbm>>) target_semaphore(%run_scoped3A : memref<!tpu.dma_semaphore, #tpu.memory_space<semaphore_mem>>)
      %dma_wait3A_48 = arith.constant 0 : i32
      %dma_wait3A_49 = tpu.memref_slice %arg5[%add3A_24, %dma_wait3A_48] : memref<2048x1024xf32, #tpu.memory_space<hbm>> -> memref<32x1024xf32, #tpu.memory_space<hbm>>
      %dma_wait3A_50 = arith.constant 0 : i32
      %dma_wait3A_51 = tpu.memref_slice %arg5[%add3A_24, %dma_wait3A_50] : memref<2048x1024xf32, #tpu.memory_space<hbm>> -> memref<32x1024xf32, #tpu.memory_space<hbm>>
      tpu.wait_dma2 semaphore(%run_scoped3A : memref<!tpu.dma_semaphore, #tpu.memory_space<semaphore_mem>>) src(%arg6 : memref<32x1024xf32, #tpu.memory_space<vmem>>) dst(%dma_wait3A_51 : memref<32x1024xf32, #tpu.memory_space<hbm>>)
      tpu.yield
    }) : () -> ()
    return
  }
}

#map = affine_map<(d0, d1) -> (0, 0)>
#map1 = affine_map<(d0, d1) -> (0)>
module attributes {stable_mosaic.version = 14 : i64} {
  func.func @k(%arg0: i32, %arg1: i32, %arg2: memref<2048x1024xf32, #tpu.memory_space<hbm>>, %arg3: memref<2048xi32, #tpu.memory_space<hbm>>, %arg4: memref<2048xi32, #tpu.memory_space<hbm>>, %arg5: memref<2048x128xf32, #tpu.memory_space<hbm>>, %arg6: memref<2048x128xf32, #tpu.memory_space<hbm>>, %arg7: memref<6144x1024xf32, #tpu.memory_space<hbm>>, %arg8: memref<6144x128xf32, #tpu.memory_space<hbm>>, %arg9: memref<64x1024xf32, #tpu.memory_space<vmem>>, %arg10: memref<64x128xf32, #tpu.memory_space<vmem>>, %arg11: memref<64x128xf32, #tpu.memory_space<vmem>>, %arg12: memref<64xi32, #tpu.memory_space<vmem>>, %arg13: memref<64xi32, #tpu.memory_space<vmem>>, %arg14: memref<!tpu.dma_semaphore, #tpu.memory_space<semaphore_mem>>, %arg15: memref<!tpu.dma_semaphore, #tpu.memory_space<semaphore_mem>>) attributes {dimension_semantics = [#tpu.dimension_semantics<core_parallel>, #tpu.dimension_semantics<subcore_parallel>], iteration_bounds = array<i64: 2, 16>, scalar_prefetch = 0 : i64, scratch_operands = 7 : i64, tpu.core_type = #tpu.core_type<sc_vector_subcore>, window_params = [{transform_indices = #map}, {transform_indices = #map1}, {transform_indices = #map1}, {transform_indices = #map}, {transform_indices = #map}, {transform_indices = #map}, {transform_indices = #map}]} {
    %mul3A = arith.constant 2 : i32
    %mul3A_0 = arith.muli %arg1, %mul3A : i32
    %add3A = arith.addi %mul3A_0, %arg0 : i32
    %mul3A_1 = arith.constant 64 : i32
    %mul3A_2 = arith.muli %add3A, %mul3A_1 : i32
    "tpu.region"() ({
      %run_scoped3A = tpu.sem_alloc : memref<!tpu.dma_semaphore, #tpu.memory_space<semaphore_mem>>
      %dma_start3A_25 = arith.constant 0 : i32
      %dma_start3A_26 = tpu.memref_slice %arg2[%mul3A_2, %dma_start3A_25] : memref<2048x1024xf32, #tpu.memory_space<hbm>> -> memref<64x1024xf32, #tpu.memory_space<hbm>>
      %dma_start3A_27 = arith.constant 0 : i32
      %dma_start3A_28 = tpu.memref_slice %arg2[%mul3A_2, %dma_start3A_27] : memref<2048x1024xf32, #tpu.memory_space<hbm>> -> memref<64x1024xf32, #tpu.memory_space<hbm>>
      tpu.enqueue_dma source(%dma_start3A_28 : memref<64x1024xf32, #tpu.memory_space<hbm>>) target(%arg9 : memref<64x1024xf32, #tpu.memory_space<vmem>>) target_semaphore(%run_scoped3A : memref<!tpu.dma_semaphore, #tpu.memory_space<semaphore_mem>>)
      %dma_wait3A_29 = arith.constant 0 : i32
      %dma_wait3A_30 = tpu.memref_slice %arg2[%mul3A_2, %dma_wait3A_29] : memref<2048x1024xf32, #tpu.memory_space<hbm>> -> memref<64x1024xf32, #tpu.memory_space<hbm>>
      %dma_wait3A_31 = arith.constant 0 : i32
      %dma_wait3A_32 = tpu.memref_slice %arg2[%mul3A_2, %dma_wait3A_31] : memref<2048x1024xf32, #tpu.memory_space<hbm>> -> memref<64x1024xf32, #tpu.memory_space<hbm>>
      tpu.wait_dma2 semaphore(%run_scoped3A : memref<!tpu.dma_semaphore, #tpu.memory_space<semaphore_mem>>) src(%dma_wait3A_32 : memref<64x1024xf32, #tpu.memory_space<hbm>>) dst(%arg9 : memref<64x1024xf32, #tpu.memory_space<vmem>>)
      tpu.yield
    }) : () -> ()
    "tpu.region"() ({
      %run_scoped3A = tpu.sem_alloc : memref<!tpu.dma_semaphore, #tpu.memory_space<semaphore_mem>>
      %dma_start3A_25 = tpu.memref_slice %arg3[%mul3A_2] : memref<2048xi32, #tpu.memory_space<hbm>> -> memref<64xi32, #tpu.memory_space<hbm>>
      %dma_start3A_26 = tpu.memref_slice %arg3[%mul3A_2] : memref<2048xi32, #tpu.memory_space<hbm>> -> memref<64xi32, #tpu.memory_space<hbm>>
      tpu.enqueue_dma source(%dma_start3A_26 : memref<64xi32, #tpu.memory_space<hbm>>) target(%arg12 : memref<64xi32, #tpu.memory_space<vmem>>) target_semaphore(%run_scoped3A : memref<!tpu.dma_semaphore, #tpu.memory_space<semaphore_mem>>)
      %dma_wait3A_27 = tpu.memref_slice %arg3[%mul3A_2] : memref<2048xi32, #tpu.memory_space<hbm>> -> memref<64xi32, #tpu.memory_space<hbm>>
      %dma_wait3A_28 = tpu.memref_slice %arg3[%mul3A_2] : memref<2048xi32, #tpu.memory_space<hbm>> -> memref<64xi32, #tpu.memory_space<hbm>>
      tpu.wait_dma2 semaphore(%run_scoped3A : memref<!tpu.dma_semaphore, #tpu.memory_space<semaphore_mem>>) src(%dma_wait3A_28 : memref<64xi32, #tpu.memory_space<hbm>>) dst(%arg12 : memref<64xi32, #tpu.memory_space<vmem>>)
      tpu.yield
    }) : () -> ()
    "tpu.region"() ({
      %run_scoped3A = tpu.sem_alloc : memref<!tpu.dma_semaphore, #tpu.memory_space<semaphore_mem>>
      %dma_start3A_25 = tpu.memref_slice %arg4[%mul3A_2] : memref<2048xi32, #tpu.memory_space<hbm>> -> memref<64xi32, #tpu.memory_space<hbm>>
      %dma_start3A_26 = tpu.memref_slice %arg4[%mul3A_2] : memref<2048xi32, #tpu.memory_space<hbm>> -> memref<64xi32, #tpu.memory_space<hbm>>
      tpu.enqueue_dma source(%dma_start3A_26 : memref<64xi32, #tpu.memory_space<hbm>>) target(%arg13 : memref<64xi32, #tpu.memory_space<vmem>>) target_semaphore(%run_scoped3A : memref<!tpu.dma_semaphore, #tpu.memory_space<semaphore_mem>>)
      %dma_wait3A_27 = tpu.memref_slice %arg4[%mul3A_2] : memref<2048xi32, #tpu.memory_space<hbm>> -> memref<64xi32, #tpu.memory_space<hbm>>
      %dma_wait3A_28 = tpu.memref_slice %arg4[%mul3A_2] : memref<2048xi32, #tpu.memory_space<hbm>> -> memref<64xi32, #tpu.memory_space<hbm>>
      tpu.wait_dma2 semaphore(%run_scoped3A : memref<!tpu.dma_semaphore, #tpu.memory_space<semaphore_mem>>) src(%dma_wait3A_28 : memref<64xi32, #tpu.memory_space<hbm>>) dst(%arg13 : memref<64xi32, #tpu.memory_space<vmem>>)
      tpu.yield
    }) : () -> ()
    "tpu.region"() ({
      %run_scoped3A = tpu.sem_alloc : memref<!tpu.dma_semaphore, #tpu.memory_space<semaphore_mem>>
      %dma_start3A_25 = arith.constant 0 : i32
      %dma_start3A_26 = tpu.memref_slice %arg5[%mul3A_2, %dma_start3A_25] : memref<2048x128xf32, #tpu.memory_space<hbm>> -> memref<64x128xf32, #tpu.memory_space<hbm>>
      %dma_start3A_27 = arith.constant 0 : i32
      %dma_start3A_28 = tpu.memref_slice %arg5[%mul3A_2, %dma_start3A_27] : memref<2048x128xf32, #tpu.memory_space<hbm>> -> memref<64x128xf32, #tpu.memory_space<hbm>>
      tpu.enqueue_dma source(%dma_start3A_28 : memref<64x128xf32, #tpu.memory_space<hbm>>) target(%arg10 : memref<64x128xf32, #tpu.memory_space<vmem>>) target_semaphore(%run_scoped3A : memref<!tpu.dma_semaphore, #tpu.memory_space<semaphore_mem>>)
      %dma_wait3A_29 = arith.constant 0 : i32
      %dma_wait3A_30 = tpu.memref_slice %arg5[%mul3A_2, %dma_wait3A_29] : memref<2048x128xf32, #tpu.memory_space<hbm>> -> memref<64x128xf32, #tpu.memory_space<hbm>>
      %dma_wait3A_31 = arith.constant 0 : i32
      %dma_wait3A_32 = tpu.memref_slice %arg5[%mul3A_2, %dma_wait3A_31] : memref<2048x128xf32, #tpu.memory_space<hbm>> -> memref<64x128xf32, #tpu.memory_space<hbm>>
      tpu.wait_dma2 semaphore(%run_scoped3A : memref<!tpu.dma_semaphore, #tpu.memory_space<semaphore_mem>>) src(%dma_wait3A_32 : memref<64x128xf32, #tpu.memory_space<hbm>>) dst(%arg10 : memref<64x128xf32, #tpu.memory_space<vmem>>)
      tpu.yield
    }) : () -> ()
    "tpu.region"() ({
      %run_scoped3A = tpu.sem_alloc : memref<!tpu.dma_semaphore, #tpu.memory_space<semaphore_mem>>
      %dma_start3A_25 = arith.constant 0 : i32
      %dma_start3A_26 = tpu.memref_slice %arg6[%mul3A_2, %dma_start3A_25] : memref<2048x128xf32, #tpu.memory_space<hbm>> -> memref<64x128xf32, #tpu.memory_space<hbm>>
      %dma_start3A_27 = arith.constant 0 : i32
      %dma_start3A_28 = tpu.memref_slice %arg6[%mul3A_2, %dma_start3A_27] : memref<2048x128xf32, #tpu.memory_space<hbm>> -> memref<64x128xf32, #tpu.memory_space<hbm>>
      tpu.enqueue_dma source(%dma_start3A_28 : memref<64x128xf32, #tpu.memory_space<hbm>>) target(%arg11 : memref<64x128xf32, #tpu.memory_space<vmem>>) target_semaphore(%run_scoped3A : memref<!tpu.dma_semaphore, #tpu.memory_space<semaphore_mem>>)
      %dma_wait3A_29 = arith.constant 0 : i32
      %dma_wait3A_30 = tpu.memref_slice %arg6[%mul3A_2, %dma_wait3A_29] : memref<2048x128xf32, #tpu.memory_space<hbm>> -> memref<64x128xf32, #tpu.memory_space<hbm>>
      %dma_wait3A_31 = arith.constant 0 : i32
      %dma_wait3A_32 = tpu.memref_slice %arg6[%mul3A_2, %dma_wait3A_31] : memref<2048x128xf32, #tpu.memory_space<hbm>> -> memref<64x128xf32, #tpu.memory_space<hbm>>
      tpu.wait_dma2 semaphore(%run_scoped3A : memref<!tpu.dma_semaphore, #tpu.memory_space<semaphore_mem>>) src(%dma_wait3A_32 : memref<64x128xf32, #tpu.memory_space<hbm>>) dst(%arg11 : memref<64x128xf32, #tpu.memory_space<vmem>>)
      tpu.yield
    }) : () -> ()
    %dma_start3A = arith.constant 0 : i32
    %dma_start3A_3 = arith.constant 0 : i32
    %dma_start3A_4 = tpu.memref_slice %arg7[%dma_start3A, %dma_start3A_3] : memref<6144x1024xf32, #tpu.memory_space<hbm>> -> memref<6144x1024xf32, #tpu.memory_space<hbm>>
    tpu.enqueue_indirect_dma source(%arg9 : memref<64x1024xf32, #tpu.memory_space<vmem>>) target(%dma_start3A_4 : memref<6144x1024xf32, #tpu.memory_space<hbm>>) offsets(%arg12 : memref<64xi32, #tpu.memory_space<vmem>>) semaphore(%arg14 : memref<!tpu.dma_semaphore, #tpu.memory_space<semaphore_mem>>)
    %dma_start3A_5 = arith.constant 0 : i32
    %dma_start3A_6 = arith.constant 0 : i32
    %dma_start3A_7 = tpu.memref_slice %arg7[%dma_start3A_5, %dma_start3A_6] : memref<6144x1024xf32, #tpu.memory_space<hbm>> -> memref<6144x1024xf32, #tpu.memory_space<hbm>>
    tpu.enqueue_indirect_dma source(%arg9 : memref<64x1024xf32, #tpu.memory_space<vmem>>) target(%dma_start3A_7 : memref<6144x1024xf32, #tpu.memory_space<hbm>>) offsets(%arg13 : memref<64xi32, #tpu.memory_space<vmem>>) semaphore(%arg15 : memref<!tpu.dma_semaphore, #tpu.memory_space<semaphore_mem>>)
    %dma_start3A_8 = arith.constant 0 : i32
    %dma_start3A_9 = arith.constant 0 : i32
    %dma_start3A_10 = tpu.memref_slice %arg8[%dma_start3A_8, %dma_start3A_9] : memref<6144x128xf32, #tpu.memory_space<hbm>> -> memref<6144x128xf32, #tpu.memory_space<hbm>>
    tpu.enqueue_indirect_dma source(%arg10 : memref<64x128xf32, #tpu.memory_space<vmem>>) target(%dma_start3A_10 : memref<6144x128xf32, #tpu.memory_space<hbm>>) offsets(%arg12 : memref<64xi32, #tpu.memory_space<vmem>>) semaphore(%arg14 : memref<!tpu.dma_semaphore, #tpu.memory_space<semaphore_mem>>)
    %dma_start3A_11 = arith.constant 0 : i32
    %dma_start3A_12 = arith.constant 0 : i32
    %dma_start3A_13 = tpu.memref_slice %arg8[%dma_start3A_11, %dma_start3A_12] : memref<6144x128xf32, #tpu.memory_space<hbm>> -> memref<6144x128xf32, #tpu.memory_space<hbm>>
    tpu.enqueue_indirect_dma source(%arg11 : memref<64x128xf32, #tpu.memory_space<vmem>>) target(%dma_start3A_13 : memref<6144x128xf32, #tpu.memory_space<hbm>>) offsets(%arg13 : memref<64xi32, #tpu.memory_space<vmem>>) semaphore(%arg15 : memref<!tpu.dma_semaphore, #tpu.memory_space<semaphore_mem>>)
    %dma_wait3A = arith.constant 0 : i32
    %dma_wait3A_14 = arith.constant 0 : i32
    %dma_wait3A_15 = tpu.memref_slice %arg7[%dma_wait3A, %dma_wait3A_14] : memref<6144x1024xf32, #tpu.memory_space<hbm>> -> memref<6144x1024xf32, #tpu.memory_space<hbm>>
    tpu.wait_indirect_dma semaphore(%arg14 : memref<!tpu.dma_semaphore, #tpu.memory_space<semaphore_mem>>) src(%arg9 : memref<64x1024xf32, #tpu.memory_space<vmem>>) dst(%dma_wait3A_15 : memref<6144x1024xf32, #tpu.memory_space<hbm>>)
    %dma_wait3A_16 = arith.constant 0 : i32
    %dma_wait3A_17 = arith.constant 0 : i32
    %dma_wait3A_18 = tpu.memref_slice %arg7[%dma_wait3A_16, %dma_wait3A_17] : memref<6144x1024xf32, #tpu.memory_space<hbm>> -> memref<6144x1024xf32, #tpu.memory_space<hbm>>
    tpu.wait_indirect_dma semaphore(%arg15 : memref<!tpu.dma_semaphore, #tpu.memory_space<semaphore_mem>>) src(%arg9 : memref<64x1024xf32, #tpu.memory_space<vmem>>) dst(%dma_wait3A_18 : memref<6144x1024xf32, #tpu.memory_space<hbm>>)
    %dma_wait3A_19 = arith.constant 0 : i32
    %dma_wait3A_20 = arith.constant 0 : i32
    %dma_wait3A_21 = tpu.memref_slice %arg8[%dma_wait3A_19, %dma_wait3A_20] : memref<6144x128xf32, #tpu.memory_space<hbm>> -> memref<6144x128xf32, #tpu.memory_space<hbm>>
    tpu.wait_indirect_dma semaphore(%arg14 : memref<!tpu.dma_semaphore, #tpu.memory_space<semaphore_mem>>) src(%arg10 : memref<64x128xf32, #tpu.memory_space<vmem>>) dst(%dma_wait3A_21 : memref<6144x128xf32, #tpu.memory_space<hbm>>)
    %dma_wait3A_22 = arith.constant 0 : i32
    %dma_wait3A_23 = arith.constant 0 : i32
    %dma_wait3A_24 = tpu.memref_slice %arg8[%dma_wait3A_22, %dma_wait3A_23] : memref<6144x128xf32, #tpu.memory_space<hbm>> -> memref<6144x128xf32, #tpu.memory_space<hbm>>
    tpu.wait_indirect_dma semaphore(%arg15 : memref<!tpu.dma_semaphore, #tpu.memory_space<semaphore_mem>>) src(%arg11 : memref<64x128xf32, #tpu.memory_space<vmem>>) dst(%dma_wait3A_24 : memref<6144x128xf32, #tpu.memory_space<hbm>>)
    return
  }
}

module attributes {stable_mosaic.version = 14 : i64} {
  func.func @_route_body(%arg0: memref<2048x1024xf32, #tpu.memory_space<vmem>>, %arg1: memref<16x1024xf32, #tpu.memory_space<vmem>>, %arg2: memref<1x16xf32, #tpu.memory_space<vmem>>, %arg3: memref<2048x1xi32, #tpu.memory_space<vmem>>, %arg4: memref<2048x1xi32, #tpu.memory_space<vmem>>, %arg5: memref<2048x128xf32, #tpu.memory_space<vmem>>, %arg6: memref<2048x128xf32, #tpu.memory_space<vmem>>, %arg7: memref<48x1xi32, #tpu.memory_space<vmem>>) attributes {dimension_semantics = [], scalar_prefetch = 0 : i64, scratch_operands = 0 : i64, tpu.core_type = #tpu.core_type<tc>} {
    %get3A = arith.constant 0 : index
    %get3A_0 = arith.constant 0 : index
    %get3A_1 = vector.load %arg0[%get3A, %get3A_0] : memref<2048x1024xf32, #tpu.memory_space<vmem>>, vector<2048x1024xf32>
    %get3A_2 = arith.constant 0 : index
    %get3A_3 = arith.constant 0 : index
    %get3A_4 = vector.load %arg1[%get3A_2, %get3A_3] : memref<16x1024xf32, #tpu.memory_space<vmem>>, vector<16x1024xf32>
    %dot_general3A = arith.constant dense<0.000000e+00> : vector<2048x16xf32>
    %dot_general3A_5 = tpu.matmul %get3A_1, %get3A_4, %dot_general3A {dimension_numbers = #tpu.dot_dimension_numbers<[1], [1], [0], [0], [0, 0, 1, 0], [], []>, transpose_lhs_hint = false} : vector<2048x1024xf32>, vector<16x1024xf32>, vector<2048x16xf32> -> vector<2048x16xf32>
    %logistic3A = arith.negf %dot_general3A_5 : vector<2048x16xf32>
    %logistic3A_6 = math.exp %logistic3A : vector<2048x16xf32>
    %logistic3A_7 = arith.constant 1.000000e+00 : f32
    %logistic3A_8 = vector.broadcast %logistic3A_7 : f32 to vector<2048x16xf32>
    %logistic3A_9 = arith.addf %logistic3A_8, %logistic3A_6 : vector<2048x16xf32>
    %logistic3A_10 = arith.divf %logistic3A_8, %logistic3A_9 : vector<2048x16xf32>
    %get3A_11 = arith.constant 0 : index
    %get3A_12 = arith.constant 0 : index
    %get3A_13 = vector.load %arg2[%get3A_11, %get3A_12] : memref<1x16xf32, #tpu.memory_space<vmem>>, vector<1x16xf32>
    %add3A = vector.broadcast %get3A_13 : vector<1x16xf32> to vector<2048x16xf32>
    %add3A_14 = arith.addf %logistic3A_10, %add3A : vector<2048x16xf32>
    %iota3A = tpu.iota {dimensions = array<i32: 1>} : vector<2048x16xi32>
    %reduce_max3A = arith.constant dense<0xFF800000> : vector<2048xf32>
    %reduce_max3A_15 = vector.multi_reduction <maximumf>, %add3A_14, %reduce_max3A [1] : vector<2048x16xf32> to vector<2048xf32>
    %broadcast_in_dim3A = vector.shape_cast %reduce_max3A_15 : vector<2048xf32> to vector<2048x1xf32>
    %eq3A = vector.broadcast %broadcast_in_dim3A : vector<2048x1xf32> to vector<2048x16xf32>
    %eq3A_16 = arith.cmpf oeq, %add3A_14, %eq3A : vector<2048x16xf32>
    %jit3A = arith.constant 16 : i32
    %broadcast_in_dim3A_17 = vector.broadcast %jit3A : i32 to vector<2048x16xi32>
    %select_n3A = arith.select %eq3A_16, %iota3A, %broadcast_in_dim3A_17 : vector<2048x16xi1>, vector<2048x16xi32>
    %reduce_min3A = arith.constant dense<2147483647> : vector<2048xi32>
    %reduce_min3A_18 = vector.multi_reduction <minsi>, %select_n3A, %reduce_min3A [1] : vector<2048x16xi32> to vector<2048xi32>
    %broadcast_in_dim3A_19 = vector.shape_cast %reduce_min3A_18 : vector<2048xi32> to vector<2048x1xi32>
    %eq3A_20 = vector.broadcast %broadcast_in_dim3A_19 : vector<2048x1xi32> to vector<2048x16xi32>
    %eq3A_21 = arith.cmpi eq, %iota3A, %eq3A_20 : vector<2048x16xi32>
    %jit3A_22 = arith.constant 0.000000e+00 : f32
    %broadcast_in_dim3A_23 = vector.broadcast %jit3A_22 : f32 to vector<2048x16xf32>
    %select_n3A_24 = arith.select %eq3A_21, %logistic3A_10, %broadcast_in_dim3A_23 : vector<2048x16xi1>, vector<2048x16xf32>
    %reduce_sum3A = arith.constant dense<0.000000e+00> : vector<2048xf32>
    %reduce_sum3A_25 = vector.multi_reduction <add>, %select_n3A_24, %reduce_sum3A [1] : vector<2048x16xf32> to vector<2048xf32>
    %broadcast_in_dim3A_26 = vector.shape_cast %reduce_sum3A_25 : vector<2048xf32> to vector<2048x1xf32>
    %jit3A_27 = arith.constant -1.000000e+30 : f32
    %broadcast_in_dim3A_28 = vector.broadcast %jit3A_27 : f32 to vector<2048x16xf32>
    %select_n3A_29 = arith.select %eq3A_21, %broadcast_in_dim3A_28, %add3A_14 : vector<2048x16xi1>, vector<2048x16xf32>
    %reduce_max3A_30 = arith.constant dense<0xFF800000> : vector<2048xf32>
    %reduce_max3A_31 = vector.multi_reduction <maximumf>, %select_n3A_29, %reduce_max3A_30 [1] : vector<2048x16xf32> to vector<2048xf32>
    %broadcast_in_dim3A_32 = vector.shape_cast %reduce_max3A_31 : vector<2048xf32> to vector<2048x1xf32>
    %eq3A_33 = vector.broadcast %broadcast_in_dim3A_32 : vector<2048x1xf32> to vector<2048x16xf32>
    %eq3A_34 = arith.cmpf oeq, %select_n3A_29, %eq3A_33 : vector<2048x16xf32>
    %jit3A_35 = arith.constant 16 : i32
    %broadcast_in_dim3A_36 = vector.broadcast %jit3A_35 : i32 to vector<2048x16xi32>
    %select_n3A_37 = arith.select %eq3A_34, %iota3A, %broadcast_in_dim3A_36 : vector<2048x16xi1>, vector<2048x16xi32>
    %reduce_min3A_38 = arith.constant dense<2147483647> : vector<2048xi32>
    %reduce_min3A_39 = vector.multi_reduction <minsi>, %select_n3A_37, %reduce_min3A_38 [1] : vector<2048x16xi32> to vector<2048xi32>
    %broadcast_in_dim3A_40 = vector.shape_cast %reduce_min3A_39 : vector<2048xi32> to vector<2048x1xi32>
    %eq3A_41 = vector.broadcast %broadcast_in_dim3A_40 : vector<2048x1xi32> to vector<2048x16xi32>
    %eq3A_42 = arith.cmpi eq, %iota3A, %eq3A_41 : vector<2048x16xi32>
    %jit3A_43 = arith.constant 0.000000e+00 : f32
    %broadcast_in_dim3A_44 = vector.broadcast %jit3A_43 : f32 to vector<2048x16xf32>
    %select_n3A_45 = arith.select %eq3A_42, %logistic3A_10, %broadcast_in_dim3A_44 : vector<2048x16xi1>, vector<2048x16xf32>
    %reduce_sum3A_46 = arith.constant dense<0.000000e+00> : vector<2048xf32>
    %reduce_sum3A_47 = vector.multi_reduction <add>, %select_n3A_45, %reduce_sum3A_46 [1] : vector<2048x16xf32> to vector<2048xf32>
    %broadcast_in_dim3A_48 = vector.shape_cast %reduce_sum3A_47 : vector<2048xf32> to vector<2048x1xf32>
    %add3A_49 = arith.addf %broadcast_in_dim3A_26, %broadcast_in_dim3A_48 : vector<2048x1xf32>
    %jit3A_50 = arith.constant 9.99999968E-21 : f32
    %max3A = vector.broadcast %jit3A_50 : f32 to vector<2048x1xf32>
    %max3A_51 = arith.maximumf %max3A, %add3A_49 : vector<2048x1xf32>
    %div3A = arith.divf %broadcast_in_dim3A_26, %max3A_51 : vector<2048x1xf32>
    %broadcast_in_dim3A_52 = vector.shape_cast %div3A : vector<2048x1xf32> to vector<2048x1xf32>
    %broadcast_in_dim3A_53 = vector.broadcast %broadcast_in_dim3A_52 : vector<2048x1xf32> to vector<2048x128xf32>
    %swap3A = arith.constant 0 : index
    %swap3A_54 = arith.constant 0 : index
    %swap3A_55 = vector.load %arg5[%swap3A, %swap3A_54] : memref<2048x128xf32, #tpu.memory_space<vmem>>, vector<2048x128xf32>
    tpu.vector_store %arg5[%swap3A, %swap3A_54], %broadcast_in_dim3A_53 {strides = array<i32>} : memref<2048x128xf32, #tpu.memory_space<vmem>>, vector<2048x128xf32>,
    %div3A_56 = arith.divf %broadcast_in_dim3A_48, %max3A_51 : vector<2048x1xf32>
    %broadcast_in_dim3A_57 = vector.shape_cast %div3A_56 : vector<2048x1xf32> to vector<2048x1xf32>
    %broadcast_in_dim3A_58 = vector.broadcast %broadcast_in_dim3A_57 : vector<2048x1xf32> to vector<2048x128xf32>
    %swap3A_59 = arith.constant 0 : index
    %swap3A_60 = arith.constant 0 : index
    %swap3A_61 = vector.load %arg6[%swap3A_59, %swap3A_60] : memref<2048x128xf32, #tpu.memory_space<vmem>>, vector<2048x128xf32>
    tpu.vector_store %arg6[%swap3A_59, %swap3A_60], %broadcast_in_dim3A_58 {strides = array<i32>} : memref<2048x128xf32, #tpu.memory_space<vmem>>, vector<2048x128xf32>,
    %convert_element_type3A = arith.extui %eq3A_21 : vector<2048x16xi1> to vector<2048x16xi32>
    %convert_element_type3A_62 = arith.sitofp %convert_element_type3A : vector<2048x16xi32> to vector<2048x16xf32>
    %convert_element_type3A_63 = arith.extui %eq3A_42 : vector<2048x16xi1> to vector<2048x16xi32>
    %convert_element_type3A_64 = arith.sitofp %convert_element_type3A_63 : vector<2048x16xi32> to vector<2048x16xf32>
    %add3A_65 = arith.addf %convert_element_type3A_62, %convert_element_type3A_64 : vector<2048x16xf32>
    %broadcast_in_dim3A_66 = arith.constant 0.000000e+00 : f32
    %broadcast_in_dim3A_67 = vector.broadcast %broadcast_in_dim3A_66 : f32 to vector<1x16xf32>
    %slice3A = vector.extract_strided_slice %add3A_65 {offsets = [0, 0], sizes = [2047, 16], strides = [1, 1]} : vector<2048x16xf32> to vector<2047x16xf32>
    %concatenate3A = tpu.concatenate %broadcast_in_dim3A_67, %slice3A in 0 : vector<1x16xf32>, vector<2047x16xf32> -> vector<2048x16xf32>
    %add3A_68 = arith.addf %add3A_65, %concatenate3A : vector<2048x16xf32>
    %broadcast_in_dim3A_69 = arith.constant 0.000000e+00 : f32
    %broadcast_in_dim3A_70 = vector.broadcast %broadcast_in_dim3A_69 : f32 to vector<2x16xf32>
    %slice3A_71 = vector.extract_strided_slice %add3A_68 {offsets = [0, 0], sizes = [2046, 16], strides = [1, 1]} : vector<2048x16xf32> to vector<2046x16xf32>
    %concatenate3A_72 = tpu.concatenate %broadcast_in_dim3A_70, %slice3A_71 in 0 : vector<2x16xf32>, vector<2046x16xf32> -> vector<2048x16xf32>
    %add3A_73 = arith.addf %add3A_68, %concatenate3A_72 : vector<2048x16xf32>
    %broadcast_in_dim3A_74 = arith.constant 0.000000e+00 : f32
    %broadcast_in_dim3A_75 = vector.broadcast %broadcast_in_dim3A_74 : f32 to vector<4x16xf32>
    %slice3A_76 = vector.extract_strided_slice %add3A_73 {offsets = [0, 0], sizes = [2044, 16], strides = [1, 1]} : vector<2048x16xf32> to vector<2044x16xf32>
    %concatenate3A_77 = tpu.concatenate %broadcast_in_dim3A_75, %slice3A_76 in 0 : vector<4x16xf32>, vector<2044x16xf32> -> vector<2048x16xf32>
    %add3A_78 = arith.addf %add3A_73, %concatenate3A_77 : vector<2048x16xf32>
    %broadcast_in_dim3A_79 = arith.constant 0.000000e+00 : f32
    %broadcast_in_dim3A_80 = vector.broadcast %broadcast_in_dim3A_79 : f32 to vector<8x16xf32>
    %slice3A_81 = vector.extract_strided_slice %add3A_78 {offsets = [0, 0], sizes = [2040, 16], strides = [1, 1]} : vector<2048x16xf32> to vector<2040x16xf32>
    %concatenate3A_82 = tpu.concatenate %broadcast_in_dim3A_80, %slice3A_81 in 0 : vector<8x16xf32>, vector<2040x16xf32> -> vector<2048x16xf32>
    %add3A_83 = arith.addf %add3A_78, %concatenate3A_82 : vector<2048x16xf32>
    %broadcast_in_dim3A_84 = arith.constant 0.000000e+00 : f32
    %broadcast_in_dim3A_85 = vector.broadcast %broadcast_in_dim3A_84 : f32 to vector<16x16xf32>
    %slice3A_86 = vector.extract_strided_slice %add3A_83 {offsets = [0, 0], sizes = [2032, 16], strides = [1, 1]} : vector<2048x16xf32> to vector<2032x16xf32>
    %concatenate3A_87 = tpu.concatenate %broadcast_in_dim3A_85, %slice3A_86 in 0 : vector<16x16xf32>, vector<2032x16xf32> -> vector<2048x16xf32>
    %add3A_88 = arith.addf %add3A_83, %concatenate3A_87 : vector<2048x16xf32>
    %broadcast_in_dim3A_89 = arith.constant 0.000000e+00 : f32
    %broadcast_in_dim3A_90 = vector.broadcast %broadcast_in_dim3A_89 : f32 to vector<32x16xf32>
    %slice3A_91 = vector.extract_strided_slice %add3A_88 {offsets = [0, 0], sizes = [2016, 16], strides = [1, 1]} : vector<2048x16xf32> to vector<2016x16xf32>
    %concatenate3A_92 = tpu.concatenate %broadcast_in_dim3A_90, %slice3A_91 in 0 : vector<32x16xf32>, vector<2016x16xf32> -> vector<2048x16xf32>
    %add3A_93 = arith.addf %add3A_88, %concatenate3A_92 : vector<2048x16xf32>
    %broadcast_in_dim3A_94 = arith.constant 0.000000e+00 : f32
    %broadcast_in_dim3A_95 = vector.broadcast %broadcast_in_dim3A_94 : f32 to vector<64x16xf32>
    %slice3A_96 = vector.extract_strided_slice %add3A_93 {offsets = [0, 0], sizes = [1984, 16], strides = [1, 1]} : vector<2048x16xf32> to vector<1984x16xf32>
    %concatenate3A_97 = tpu.concatenate %broadcast_in_dim3A_95, %slice3A_96 in 0 : vector<64x16xf32>, vector<1984x16xf32> -> vector<2048x16xf32>
    %add3A_98 = arith.addf %add3A_93, %concatenate3A_97 : vector<2048x16xf32>
    %broadcast_in_dim3A_99 = arith.constant 0.000000e+00 : f32
    %broadcast_in_dim3A_100 = vector.broadcast %broadcast_in_dim3A_99 : f32 to vector<128x16xf32>
    %slice3A_101 = vector.extract_strided_slice %add3A_98 {offsets = [0, 0], sizes = [1920, 16], strides = [1, 1]} : vector<2048x16xf32> to vector<1920x16xf32>
    %concatenate3A_102 = tpu.concatenate %broadcast_in_dim3A_100, %slice3A_101 in 0 : vector<128x16xf32>, vector<1920x16xf32> -> vector<2048x16xf32>
    %add3A_103 = arith.addf %add3A_98, %concatenate3A_102 : vector<2048x16xf32>
    %broadcast_in_dim3A_104 = arith.constant 0.000000e+00 : f32
    %broadcast_in_dim3A_105 = vector.broadcast %broadcast_in_dim3A_104 : f32 to vector<256x16xf32>
    %slice3A_106 = vector.extract_strided_slice %add3A_103 {offsets = [0, 0], sizes = [1792, 16], strides = [1, 1]} : vector<2048x16xf32> to vector<1792x16xf32>
    %concatenate3A_107 = tpu.concatenate %broadcast_in_dim3A_105, %slice3A_106 in 0 : vector<256x16xf32>, vector<1792x16xf32> -> vector<2048x16xf32>
    %add3A_108 = arith.addf %add3A_103, %concatenate3A_107 : vector<2048x16xf32>
    %broadcast_in_dim3A_109 = arith.constant 0.000000e+00 : f32
    %broadcast_in_dim3A_110 = vector.broadcast %broadcast_in_dim3A_109 : f32 to vector<512x16xf32>
    %slice3A_111 = vector.extract_strided_slice %add3A_108 {offsets = [0, 0], sizes = [1536, 16], strides = [1, 1]} : vector<2048x16xf32> to vector<1536x16xf32>
    %concatenate3A_112 = tpu.concatenate %broadcast_in_dim3A_110, %slice3A_111 in 0 : vector<512x16xf32>, vector<1536x16xf32> -> vector<2048x16xf32>
    %add3A_113 = arith.addf %add3A_108, %concatenate3A_112 : vector<2048x16xf32>
    %broadcast_in_dim3A_114 = arith.constant 0.000000e+00 : f32
    %broadcast_in_dim3A_115 = vector.broadcast %broadcast_in_dim3A_114 : f32 to vector<1024x16xf32>
    %slice3A_116 = vector.extract_strided_slice %add3A_113 {offsets = [0, 0], sizes = [1024, 16], strides = [1, 1]} : vector<2048x16xf32> to vector<1024x16xf32>
    %concatenate3A_117 = tpu.concatenate %broadcast_in_dim3A_115, %slice3A_116 in 0 : vector<1024x16xf32>, vector<1024x16xf32> -> vector<2048x16xf32>
    %add3A_118 = arith.addf %add3A_113, %concatenate3A_117 : vector<2048x16xf32>
    %sub3A = arith.subf %add3A_118, %add3A_65 : vector<2048x16xf32>
    %slice3A_119 = vector.extract_strided_slice %add3A_118 {offsets = [2047, 0], sizes = [1, 16], strides = [1, 1]} : vector<2048x16xf32> to vector<1x16xf32>
    %convert_element_type3A_120 = arith.fptosi %slice3A_119 : vector<1x16xf32> to vector<1x16xi32>
    %add3A_121 = arith.constant 127 : i32
    %add3A_122 = vector.broadcast %add3A_121 : i32 to vector<1x16xi32>
    %add3A_123 = arith.addi %convert_element_type3A_120, %add3A_122 : vector<1x16xi32>
    %jit3A_124 = arith.constant 128 : i32
    %div3A_125 = vector.broadcast %jit3A_124 : i32 to vector<1x16xi32>
    %div3A_126 = arith.divsi %add3A_123, %div3A_125 : vector<1x16xi32>
    %sign3A = arith.constant 0 : i32
    %sign3A_127 = vector.broadcast %sign3A : i32 to vector<1x16xi32>
    %sign3A_128 = arith.cmpi sgt, %add3A_123, %sign3A_127 : vector<1x16xi32>
    %sign3A_129 = arith.extui %sign3A_128 : vector<1x16xi1> to vector<1x16xi32>
    %sign3A_130 = arith.constant 0 : i32
    %sign3A_131 = vector.broadcast %sign3A_130 : i32 to vector<1x16xi32>
    %sign3A_132 = arith.cmpi slt, %add3A_123, %sign3A_131 : vector<1x16xi32>
    %sign3A_133 = arith.extui %sign3A_132 : vector<1x16xi1> to vector<1x16xi32>
    %sign3A_134 = arith.subi %sign3A_129, %sign3A_133 : vector<1x16xi32>
    %sign3A_135 = arith.constant 0 : i32
    %sign3A_136 = arith.cmpi sgt, %jit3A_124, %sign3A_135 : i32
    %sign3A_137 = arith.extui %sign3A_136 : i1 to i32
    %sign3A_138 = arith.constant 0 : i32
    %sign3A_139 = arith.cmpi slt, %jit3A_124, %sign3A_138 : i32
    %sign3A_140 = arith.extui %sign3A_139 : i1 to i32
    %sign3A_141 = arith.subi %sign3A_137, %sign3A_140 : i32
    %ne3A = vector.broadcast %sign3A_141 : i32 to vector<1x16xi32>
    %ne3A_142 = arith.cmpi ne, %sign3A_134, %ne3A : vector<1x16xi32>
    %rem3A = vector.broadcast %jit3A_124 : i32 to vector<1x16xi32>
    %rem3A_143 = arith.remsi %add3A_123, %rem3A : vector<1x16xi32>
    %ne3A_144 = arith.constant 0 : i32
    %ne3A_145 = vector.broadcast %ne3A_144 : i32 to vector<1x16xi32>
    %ne3A_146 = arith.cmpi ne, %rem3A_143, %ne3A_145 : vector<1x16xi32>
    %and3A = arith.andi %ne3A_142, %ne3A_146 : vector<1x16xi1>
    %sub3A_147 = arith.constant 1 : i32
    %sub3A_148 = vector.broadcast %sub3A_147 : i32 to vector<1x16xi32>
    %sub3A_149 = arith.subi %div3A_126, %sub3A_148 : vector<1x16xi32>
    %select_n3A_150 = arith.select %and3A, %sub3A_149, %div3A_126 : vector<1x16xi1>, vector<1x16xi32>
    %mul3A = arith.constant 128 : i32
    %mul3A_151 = vector.broadcast %mul3A : i32 to vector<1x16xi32>
    %mul3A_152 = arith.muli %select_n3A_150, %mul3A_151 : vector<1x16xi32>
    %iota3A_153 = tpu.iota {dimensions = array<i32: 0>} : vector<16x16xi32>
    %iota3A_154 = tpu.iota {dimensions = array<i32: 1>} : vector<16x16xi32>
    %lt3A = arith.cmpi slt, %iota3A_153, %iota3A_154 : vector<16x16xi32>
    %convert_element_type3A_155 = arith.extui %lt3A : vector<16x16xi1> to vector<16x16xi32>
    %convert_element_type3A_156 = arith.sitofp %convert_element_type3A_155 : vector<16x16xi32> to vector<16x16xf32>
    %convert_element_type3A_157 = arith.sitofp %mul3A_152 : vector<1x16xi32> to vector<1x16xf32>
    %dot_general3A_158 = arith.constant dense<0.000000e+00> : vector<1x16xf32>
    %dot_general3A_159 = tpu.matmul %convert_element_type3A_157, %convert_element_type3A_156, %dot_general3A_158 {dimension_numbers = #tpu.dot_dimension_numbers<[1], [0], [0], [1], [0, 0, 1, 1], [], []>, transpose_lhs_hint = false} : vector<1x16xf32>, vector<16x16xf32>, vector<1x16xf32> -> vector<1x16xf32>
    %add3A_160 = vector.broadcast %dot_general3A_159 : vector<1x16xf32> to vector<2048x16xf32>
    %add3A_161 = arith.addf %add3A_160, %sub3A : vector<2048x16xf32>
    %jit3A_162 = arith.constant 0.000000e+00 : f32
    %broadcast_in_dim3A_163 = vector.broadcast %jit3A_162 : f32 to vector<2048x16xf32>
    %select_n3A_164 = arith.select %eq3A_21, %add3A_161, %broadcast_in_dim3A_163 : vector<2048x16xi1>, vector<2048x16xf32>
    %reduce_sum3A_165 = arith.constant dense<0.000000e+00> : vector<2048xf32>
    %reduce_sum3A_166 = vector.multi_reduction <add>, %select_n3A_164, %reduce_sum3A_165 [1] : vector<2048x16xf32> to vector<2048xf32>
    %broadcast_in_dim3A_167 = vector.shape_cast %reduce_sum3A_166 : vector<2048xf32> to vector<2048x1xf32>
    %convert_element_type3A_168 = arith.fptosi %broadcast_in_dim3A_167 : vector<2048x1xf32> to vector<2048x1xi32>
    %swap3A_169 = arith.constant 0 : index
    %swap3A_170 = arith.constant 0 : index
    %swap3A_171 = vector.load %arg3[%swap3A_169, %swap3A_170] : memref<2048x1xi32, #tpu.memory_space<vmem>>, vector<2048x1xi32>
    tpu.vector_store %arg3[%swap3A_169, %swap3A_170], %convert_element_type3A_168 {strides = array<i32>} : memref<2048x1xi32, #tpu.memory_space<vmem>>, vector<2048x1xi32>,
    %jit3A_172 = arith.constant 0.000000e+00 : f32
    %broadcast_in_dim3A_173 = vector.broadcast %jit3A_172 : f32 to vector<2048x16xf32>
    %select_n3A_174 = arith.select %eq3A_42, %add3A_161, %broadcast_in_dim3A_173 : vector<2048x16xi1>, vector<2048x16xf32>
    %reduce_sum3A_175 = arith.constant dense<0.000000e+00> : vector<2048xf32>
    %reduce_sum3A_176 = vector.multi_reduction <add>, %select_n3A_174, %reduce_sum3A_175 [1] : vector<2048x16xf32> to vector<2048xf32>
    %broadcast_in_dim3A_177 = vector.shape_cast %reduce_sum3A_176 : vector<2048xf32> to vector<2048x1xf32>
    %convert_element_type3A_178 = arith.fptosi %broadcast_in_dim3A_177 : vector<2048x1xf32> to vector<2048x1xi32>
    %swap3A_179 = arith.constant 0 : index
    %swap3A_180 = arith.constant 0 : index
    %swap3A_181 = vector.load %arg4[%swap3A_179, %swap3A_180] : memref<2048x1xi32, #tpu.memory_space<vmem>>, vector<2048x1xi32>
    tpu.vector_store %arg4[%swap3A_179, %swap3A_180], %convert_element_type3A_178 {strides = array<i32>} : memref<2048x1xi32, #tpu.memory_space<vmem>>, vector<2048x1xi32>,
    %iota3A_182 = tpu.iota {dimensions = array<i32: 0>} : vector<48x16xi32>
    %mul3A_183 = arith.constant 128 : i32
    %mul3A_184 = vector.broadcast %mul3A_183 : i32 to vector<48x16xi32>
    %mul3A_185 = arith.muli %iota3A_182, %mul3A_184 : vector<48x16xi32>
    %convert_element_type3A_186 = arith.fptosi %dot_general3A_159 : vector<1x16xf32> to vector<1x16xi32>
    %le3A = vector.broadcast %convert_element_type3A_186 : vector<1x16xi32> to vector<48x16xi32>
    %le3A_187 = arith.cmpi sle, %le3A, %mul3A_185 : vector<48x16xi32>
    %convert_element_type3A_188 = arith.extui %le3A_187 : vector<48x16xi1> to vector<48x16xi32>
    %reduce_sum3A_189 = arith.constant dense<0> : vector<48xi32>
    %reduce_sum3A_190 = vector.multi_reduction <add>, %convert_element_type3A_188, %reduce_sum3A_189 [1] : vector<48x16xi32> to vector<48xi32>
    %broadcast_in_dim3A_191 = vector.shape_cast %reduce_sum3A_190 : vector<48xi32> to vector<48x1xi32>
    %sub3A_192 = arith.constant 1 : i32
    %sub3A_193 = vector.broadcast %sub3A_192 : i32 to vector<48x1xi32>
    %sub3A_194 = arith.subi %broadcast_in_dim3A_191, %sub3A_193 : vector<48x1xi32>
    %max3A_195 = arith.constant 0 : i32
    %max3A_196 = vector.broadcast %max3A_195 : i32 to vector<48x1xi32>
    %max3A_197 = arith.maxsi %sub3A_194, %max3A_196 : vector<48x1xi32>
    %swap3A_198 = arith.constant 0 : index
    %swap3A_199 = arith.constant 0 : index
    %swap3A_200 = vector.load %arg7[%swap3A_198, %swap3A_199] : memref<48x1xi32, #tpu.memory_space<vmem>>, vector<48x1xi32>
    tpu.vector_store %arg7[%swap3A_198, %swap3A_199], %max3A_197 {strides = array<i32>} : memref<48x1xi32, #tpu.memory_space<vmem>>, vector<48x1xi32>,
    return
  }
}

module attributes {stable_mosaic.version = 14 : i64} {
  func.func @_gemm_body(%arg0: i32, %arg1: memref<48xi32, #tpu.memory_space<smem>>, %arg2: memref<128x1024xf32, #tpu.memory_space<vmem>>, %arg3: memref<1x512x1024xf32, #tpu.memory_space<vmem>>, %arg4: memref<1x512x1024xf32, #tpu.memory_space<vmem>>, %arg5: memref<1x1024x512xf32, #tpu.memory_space<vmem>>, %arg6: memref<128x128xf32, #tpu.memory_space<vmem>>, %arg7: memref<128x1024xf32, #tpu.memory_space<vmem>>) attributes {dimension_semantics = [#tpu.dimension_semantics<arbitrary>], iteration_bounds = array<i64: 48>, scalar_prefetch = 1 : i64, scratch_operands = 0 : i64, tpu.core_type = #tpu.core_type<tc>, window_params = [{transform_indices = @transform_0, window_bounds = array<i64: 128, 1024>}, {transform_indices = @transform_1, window_bounds = array<i64: 1, 512, 1024>}, {transform_indices = @transform_2, window_bounds = array<i64: 1, 512, 1024>}, {transform_indices = @transform_3, window_bounds = array<i64: 1, 1024, 512>}, {transform_indices = @transform_4, window_bounds = array<i64: 128, 128>}, {transform_indices = @transform_5, window_bounds = array<i64: 128, 1024>}]} {
    %get3A = arith.constant 0 : index
    %get3A_0 = arith.constant 0 : index
    %get3A_1 = vector.load %arg2[%get3A, %get3A_0] : memref<128x1024xf32, #tpu.memory_space<vmem>>, vector<128x1024xf32>
    %convert_element_type3A = arith.truncf %get3A_1 : vector<128x1024xf32> to vector<128x1024xbf16>
    %get3A_2 = arith.constant 0 : index
    %get3A_3 = arith.constant 0 : index
    %get3A_4 = arith.constant 0 : index
    %get3A_5 = vector.load %arg3[%get3A_2, %get3A_3, %get3A_4] : memref<1x512x1024xf32, #tpu.memory_space<vmem>>, vector<1x512x1024xf32>
    %get3A_6 = vector.shape_cast %get3A_5 : vector<1x512x1024xf32> to vector<512x1024xf32>
    %convert_element_type3A_7 = arith.truncf %get3A_6 : vector<512x1024xf32> to vector<512x1024xbf16>
    %get3A_8 = arith.constant 0 : index
    %get3A_9 = arith.constant 0 : index
    %get3A_10 = arith.constant 0 : index
    %get3A_11 = vector.load %arg4[%get3A_8, %get3A_9, %get3A_10] : memref<1x512x1024xf32, #tpu.memory_space<vmem>>, vector<1x512x1024xf32>
    %get3A_12 = vector.shape_cast %get3A_11 : vector<1x512x1024xf32> to vector<512x1024xf32>
    %convert_element_type3A_13 = arith.truncf %get3A_12 : vector<512x1024xf32> to vector<512x1024xbf16>
    %get3A_14 = arith.constant 0 : index
    %get3A_15 = arith.constant 0 : index
    %get3A_16 = arith.constant 0 : index
    %get3A_17 = vector.load %arg5[%get3A_14, %get3A_15, %get3A_16] : memref<1x1024x512xf32, #tpu.memory_space<vmem>>, vector<1x1024x512xf32>
    %get3A_18 = vector.shape_cast %get3A_17 : vector<1x1024x512xf32> to vector<1024x512xf32>
    %convert_element_type3A_19 = arith.truncf %get3A_18 : vector<1024x512xf32> to vector<1024x512xbf16>
    %dot_general3A = arith.constant dense<0.000000e+00> : vector<128x512xf32>
    %dot_general3A_20 = tpu.matmul %convert_element_type3A, %convert_element_type3A_7, %dot_general3A {dimension_numbers = #tpu.dot_dimension_numbers<[1], [1], [0], [0], [0, 0, 1, 0], [], []>, transpose_lhs_hint = false} : vector<128x1024xbf16>, vector<512x1024xbf16>, vector<128x512xf32> -> vector<128x512xf32>
    %dot_general3A_21 = arith.constant dense<0.000000e+00> : vector<128x512xf32>
    %dot_general3A_22 = tpu.matmul %convert_element_type3A, %convert_element_type3A_13, %dot_general3A_21 {dimension_numbers = #tpu.dot_dimension_numbers<[1], [1], [0], [0], [0, 0, 1, 0], [], []>, transpose_lhs_hint = false} : vector<128x1024xbf16>, vector<512x1024xbf16>, vector<128x512xf32> -> vector<128x512xf32>
    %logistic3A = arith.negf %dot_general3A_20 : vector<128x512xf32>
    %logistic3A_23 = math.exp %logistic3A : vector<128x512xf32>
    %logistic3A_24 = arith.constant 1.000000e+00 : f32
    %logistic3A_25 = vector.broadcast %logistic3A_24 : f32 to vector<128x512xf32>
    %logistic3A_26 = arith.addf %logistic3A_25, %logistic3A_23 : vector<128x512xf32>
    %logistic3A_27 = arith.divf %logistic3A_25, %logistic3A_26 : vector<128x512xf32>
    %mul3A = arith.mulf %dot_general3A_20, %logistic3A_27 : vector<128x512xf32>
    %mul3A_28 = arith.mulf %mul3A, %dot_general3A_22 : vector<128x512xf32>
    %convert_element_type3A_29 = arith.truncf %mul3A_28 : vector<128x512xf32> to vector<128x512xbf16>
    %dot_general3A_30 = arith.constant dense<0.000000e+00> : vector<128x1024xf32>
    %dot_general3A_31 = tpu.matmul %convert_element_type3A_29, %convert_element_type3A_19, %dot_general3A_30 {dimension_numbers = #tpu.dot_dimension_numbers<[1], [1], [0], [0], [0, 0, 1, 0], [], []>, transpose_lhs_hint = false} : vector<128x512xbf16>, vector<1024x512xbf16>, vector<128x1024xf32> -> vector<128x1024xf32>
    %get3A_32 = arith.constant 0 : index
    %get3A_33 = arith.constant 0 : index
    %get3A_34 = vector.load %arg6[%get3A_32, %get3A_33] : memref<128x128xf32, #tpu.memory_space<vmem>>, vector<128x1xf32>
    %mul3A_35 = vector.broadcast %get3A_34 : vector<128x1xf32> to vector<128x1024xf32>
    %mul3A_36 = arith.mulf %dot_general3A_31, %mul3A_35 : vector<128x1024xf32>
    %swap3A = arith.constant 0 : index
    %swap3A_37 = arith.constant 0 : index
    %swap3A_38 = vector.load %arg7[%swap3A, %swap3A_37] : memref<128x1024xf32, #tpu.memory_space<vmem>>, vector<128x1024xf32>
    tpu.vector_store %arg7[%swap3A, %swap3A_37], %mul3A_36 {strides = array<i32>} : memref<128x1024xf32, #tpu.memory_space<vmem>>, vector<128x1024xf32>,
    return
  }
  func.func @transform_0(%arg0: i32, %arg1: memref<48xi32, #tpu.memory_space<smem>>) -> (i32, i32) {
    %c0_i32 = arith.constant 0 : i32
    %c0_i32_0 = arith.constant 0 : i32
    return %arg0, %c0_i32 : i32, i32
  }
  func.func @transform_1(%arg0: i32, %arg1: memref<48xi32, #tpu.memory_space<smem>>) -> (i32, i32, i32) {
    %get3A = arith.index_cast %arg0 : i32 to index
    %get3A_0 = memref.load %arg1[%get3A] : memref<48xi32, #tpu.memory_space<smem>>
    %c0_i32 = arith.constant 0 : i32
    %c0_i32_1 = arith.constant 0 : i32
    %c0_i32_2 = arith.constant 0 : i32
    return %get3A_0, %c0_i32, %c0_i32_1 : i32, i32, i32
  }
  func.func @transform_2(%arg0: i32, %arg1: memref<48xi32, #tpu.memory_space<smem>>) -> (i32, i32, i32) {
    %get3A = arith.index_cast %arg0 : i32 to index
    %get3A_0 = memref.load %arg1[%get3A] : memref<48xi32, #tpu.memory_space<smem>>
    %c0_i32 = arith.constant 0 : i32
    %c0_i32_1 = arith.constant 0 : i32
    %c0_i32_2 = arith.constant 0 : i32
    return %get3A_0, %c0_i32, %c0_i32_1 : i32, i32, i32
  }
  func.func @transform_3(%arg0: i32, %arg1: memref<48xi32, #tpu.memory_space<smem>>) -> (i32, i32, i32) {
    %get3A = arith.index_cast %arg0 : i32 to index
    %get3A_0 = memref.load %arg1[%get3A] : memref<48xi32, #tpu.memory_space<smem>>
    %c0_i32 = arith.constant 0 : i32
    %c0_i32_1 = arith.constant 0 : i32
    %c0_i32_2 = arith.constant 0 : i32
    return %get3A_0, %c0_i32, %c0_i32_1 : i32, i32, i32
  }
  func.func @transform_4(%arg0: i32, %arg1: memref<48xi32, #tpu.memory_space<smem>>) -> (i32, i32) {
    %c0_i32 = arith.constant 0 : i32
    %c0_i32_0 = arith.constant 0 : i32
    return %arg0, %c0_i32 : i32, i32
  }
  func.func @transform_5(%arg0: i32, %arg1: memref<48xi32, #tpu.memory_space<smem>>) -> (i32, i32) {
    %c0_i32 = arith.constant 0 : i32
    %c0_i32_0 = arith.constant 0 : i32
    return %arg0, %c0_i32 : i32, i32
  }
}

</mosaic_0001>

<sc_bundles>
// kernel: kernel.6.cloned.1.call-start
scs
__scs_entry_jumppad:
0x0: {  	(pc) =	sbr.rel $0x88, $3  }
0x1: {  	(tag) =	ssettag $0x0;
	lr =	simm.s32 $0x1  }
0x2: {  	[smem:$0x3F9B] =	sst lr;
	_ =	strace $0xD0000000  }
0x3: {  	_ = 	snop  }
0x4: {  	_ = 	snop  }
0x5: {  	_ = 	snop  }
0x6: {  	_ = 	snop  }
0x7: {  	_ = 	snop  }
__scs_overlays_trampoline_lowered:
0x8: {  	[smem:$0x3FAA] =	sst s0  }
0x9: {  	[smem:$0x3FAB] =	sst s1  }
0xa: {  	[smem:$0x3FAC] =	sst s2  }
0xb: {  	[smem:$0x3FAD] =	sst s3  }
0xc: {  	[smem:$0x3FAE] =	sst s4  }
0xd: {  	[smem:$0x3FAF] =	sst s5  }
0xe: {  	[smem:$0x3FB0] =	sst s6  }
0xf: {  	[smem:$0x3FB1] =	sst s7  }
0x10: {  	[smem:$0x3FB2] =	sst s8  }
0x11: {  	[smem:$0x3FB3] =	sst s9;
	s0 =	simm.s32 @!p0 $0x0  }
0x12: {  	s1 =	sld [smem:$0x3F99];
	s0 =	simm.s32 @p0 $0x1  }
0x13: {  	[smem:$0x3FB4] =	sst s0;
	s0 =	simm.s32 @!p1 $0x0  }
0x14: {  	s2 =	sld [smem:$0x3F98];
	s0 =	simm.s32 @p1 $0x1  }
0x15: {  	[smem:$0x3FB5] =	sst s0;
	s0 =	simm.s32 @!p2 $0x0  }
0x16: {  	s3 =	sld [smem:$0x3FDB];
	s0 =	simm.s32 @p2 $0x1  }
0x17: {  	s4 =	simm.s32 $0x1BF5;
	[smem:$0x3FB7] =	sst s0  }
0x18: {  	s0 =	sld [smem:$0x3F9A];
	_ =	swait.ge [sflag:s4], $0x0  }
0x19: {  	s7 =	sld [smem:$0x3F9B]  }
0x1a: {  	s8 =	sadd.s32 $0xFFFFE003, lr  }
0x1b: {  	s9 =	sadd.s32 $0xFFFFFEF7, lr;
	s5 =	simm.s32 $0xFFFFFFFF;
	p2 =	slt.u32 s8, $0xFFFFF086  }
0x1c: {  	p1 =	slt.u32 s9, $0xF7A;
	s5 =	simm.s32 @!p2 $0x0  }
0x1d: {  	s5 =	simm.s32 @p1 $0x1;
	p0 =	seq.s32 s7, s2  }
0x1e: {  	s7 =	smul.u32 @!p0 $0xF7A, s2;
	p2 =	seq.s32 @!p0 s5, $0x0  }
0x1f: {  	s9 =	smul.u32 $0xF7A, s1;
	s8 =	simm.s32 @!p0 $0x1BF5;
	p2 =	por !p2, p0  }
0x20: {  	[sflag:s8] =	ssyncset.s32 @!p0 $0xFFFFF086;
	s6 =	sadd.s32 @!p0 s3, s7;
	s7 =	simm.s32 @!p0 $0x108  }
0x21: {  	s3 =	sadd.s32 s3, s9;
	s6 =	sadd.s32 @!p0 $0x88, s6;
	s7 =	simm.s32 @p2 $0x1082  }
0x22: {  	[simem:s7], [sflag:s8] =	dma.local @!p0 [hbm:s6], $0xF7A  }
0x23: {  	s9 =	sor.u32 $0xD0000000, s2;
	s6 =	simm.s32 $0x108;
	_ =	swait.ge @!p0 [sflag:s8], $0x0  }
0x24: {  	s3 =	sadd.s32 $0x88, s3;
	s6 =	simm.s32 @!p1 $0x1082;
	[sflag:s4] =	ssyncset.s32 $0xFFFFF086  }
0x25: {  	[simem:s6], [sflag:s4] =	dma.local [hbm:s3], $0xF7A  }
0x26: {  	[smem:$0x3F9B] =	sst s1;
	(tag) =	ssettag s2;
	_ =	strace s9  }
0x27: {  	s1 =	sld [smem:$0x3FAB]  }
0x28: {  	s2 =	sld [smem:$0x3FAC]  }
0x29: {  	s4 =	sld [smem:$0x3FAE]  }
0x2a: {  	p0 =	seq.s32 s5, $0x0;
	s5 =	sld [smem:$0x3FAF]  }
0x2b: {  	s6 =	sld [smem:$0x3FB0]  }
0x2c: {  	s7 =	sld [smem:$0x3FB1]  }
0x2d: {  	s3 =	simm.s32 $0x108;
	s8 =	sld [smem:$0x3FB2]  }
0x2e: {  	s3 =	simm.s32 @!p0 $0x1082;
	s9 =	sld [smem:$0x3FB3]  }
0x2f: {  	lr =	sadd.s32 s0, s3;
	s0 =	sld [smem:$0x3FAA]  }
0x30: {  	s3 =	sld [smem:$0x3FAD]  }
0x31: {  	[smem:$0x3FB6] =	sst s10  }
0x32: {  	s10 =	sld [smem:$0x3FB4];
	_ =	sdelay $0x3  }
0x33: {  	p0 =	seq.s32 s10, $0x1;
	s10 =	sld [smem:$0x3FB6];
	_ =	sdelay $0x3  }
0x34: {  	[smem:$0x3FB6] =	sst s10  }
0x35: {  	s10 =	sld [smem:$0x3FB5];
	_ =	sdelay $0x3  }
0x36: {  	p1 =	seq.s32 s10, $0x1;
	s10 =	sld [smem:$0x3FB6];
	_ =	sdelay $0x3  }
0x37: {  	[smem:$0x3FB6] =	sst s10  }
0x38: {  	s10 =	sld [smem:$0x3FB7]  }
0x39: {  	_ = 	snop;
	(pc) =	sbr.ind lr, $3  }
0x3a: {  	_ = 	snop  }
0x3b: {  	_ = 	snop  }
0x3c: {  	p2 =	seq.s32 s10, $0x1;
	s10 =	sld [smem:$0x3FB6]  }
0x3d: {  	_ =	shalt  }
0x3e: {  	_ =	shalt  }
0x3f: {  	_ =	shalt  }
0x40: {  	_ =	shalt  }
0x41: {  	_ =	shalt  }
0x42: {  	_ =	shalt  }
0x43: {  	_ =	shalt  }
0x44: {  	_ =	shalt  }
0x45: {  	_ =	shalt  }
0x46: {  	_ =	shalt  }
0x47: {  	_ =	shalt  }
0x48: {  	_ =	shalt  }
0x49: {  	_ =	shalt  }
0x4a: {  	_ =	shalt  }
0x4b: {  	_ =	shalt  }
0x4c: {  	_ =	shalt  }
0x4d: {  	_ =	shalt  }
0x4e: {  	_ =	shalt  }
0x4f: {  	_ =	shalt  }
0x50: {  	_ =	shalt  }
0x51: {  	_ =	shalt  }
0x52: {  	_ =	shalt  }
0x53: {  	_ =	shalt  }
0x54: {  	_ =	shalt  }
0x55: {  	_ =	shalt  }
0x56: {  	_ =	shalt  }
0x57: {  	_ =	shalt  }
0x58: {  	_ =	shalt  }
0x59: {  	_ =	shalt  }
0x5a: {  	_ =	shalt  }
0x5b: {  	_ =	shalt  }
0x5c: {  	_ =	shalt  }
0x5d: {  	_ =	shalt  }
0x5e: {  	_ =	shalt  }
0x5f: {  	_ =	shalt  }
0x60: {  	_ =	shalt  }
0x61: {  	_ =	shalt  }
0x62: {  	_ =	shalt  }
0x63: {  	_ =	shalt  }
0x64: {  	_ =	shalt  }
0x65: {  	_ =	shalt  }
0x66: {  	_ =	shalt  }
0x67: {  	_ =	shalt  }
0x68: {  	_ =	shalt  }
0x69: {  	_ =	shalt  }
0x6a: {  	_ =	shalt  }
0x6b: {  	_ =	shalt  }
0x6c: {  	_ =	shalt  }
0x6d: {  	_ =	shalt  }
0x6e: {  	_ =	shalt  }
0x6f: {  	_ =	shalt  }
0x70: {  	_ =	shalt  }
0x71: {  	_ =	shalt  }
0x72: {  	_ =	shalt  }
0x73: {  	_ =	shalt  }
0x74: {  	_ =	shalt  }
0x75: {  	_ =	shalt  }
0x76: {  	_ =	shalt  }
0x77: {  	_ =	shalt  }
0x78: {  	_ =	shalt  }
0x79: {  	_ =	shalt  }
0x7a: {  	_ =	shalt  }
0x7b: {  	_ =	shalt  }
0x7c: {  	_ =	shalt  }
0x7d: {  	_ =	shalt  }
0x7e: {  	_ =	shalt  }
0x7f: {  	_ =	shalt  }
0x80: {  	_ =	shalt  }
0x81: {  	_ =	shalt  }
0x82: {  	_ =	shalt  }
0x83: {  	_ =	shalt  }
0x84: {  	_ =	shalt  }
0x85: {  	_ =	shalt  }
0x86: {  	_ =	shalt  }
0x87: {  	_ =	shalt  }
.Lfunc_end0:
.L_simem_size_0:
called_computation_lowered:
.L_overlay_start_0:
0x88: {  	s2 =	sld [smem:$0x3FD9]  }
0x89: {  	s3 =	sld [smem:$0x3FFE];
	_ =	sdelay $0x1  }
0x8a: {  	s1 =	srdreg.scid  }
0x8b: {  	s0 =	sand.u32 $0x1, s1  }
0x8c: {  	s17 =	sshll.u32 s0, $0xA;
	s2 =	sadd.s32 s3, s2  }
0x8d: {  	s2 =	sadd.s32 s2, s17  }
0x8e: {  	[smem:$0x3FC2] =	sst s2  }
0x8f: {  	_ = 	snop  }
0x90: {  	s2 =	sld [smem:$0x3FC9]  }
0x91: {  	s18 =	sld [smem:$0x3FD0];
	(tm) =	ssettm $0x1  }
0x92: {  	s4 =	sld [smem:$0x3FFB];
	_ =	sdelay $0x3  }
0x93: {  	_ =	strace s4  }
0x94: {  	s4 =	sld [smem:$0x3FFC];
	_ =	sdelay $0x3  }
0x95: {  	_ =	strace s4  }
0x96: {  	s4 =	sld [smem:$0x3FFD];
	_ =	sdelay $0x3  }
0x97: {  	_ =	strace s4  }
0x98: {  	_ =	strace $0x8FFFFFFF  }
0x99: {  	s19 =	sld [smem:$0x3FDB];
	_ =	sdelay $0x1  }
0x9a: {  	s5 =	simm.s32 $_scs_section_size  }
0x9b: {  	s6 =	simm.s32 $_size__tile_overlayer_lowered;
	s7 =	simm.s32 $_tile_overlayer_lowered  }
0x9c: {  	s22 =	simm.s32 $0x1BFF;
	s21 =	sshll.u32 s7, $0x1;
	s4 =	sadd.s32 s5, s19  }
0x9d: {  	s8 =	simm.s32 $0x0;
	s20 =	sshll.u32 s6, $0x1;
	s6 =	sadd.s32 s21, s4  }
0x9e: {  	[timem:s8], [sflag:s22] =	dma.local [hbm:s6], s20  }
0x9f: {  	_ =	swait.ge [sflag:s22], s20  }
0xa0: {  	s5 =	ssub.s32 $0x0, s20;
	[sflag:s22] =	ssyncset.done $0x0  }
0xa1: {  	[sflag:s22] =	ssyncadd.s32 s5;
	_ =	sdelay $0x1  }
0xa2: {  	s23 =	simm.s32 $0x1B8B  }
0xa3: {  	_ =	swait.ge [sflag:s23], $0x1  }
0xa4: {  	[sflag:s23] =	ssyncset.done $0x0  }
0xa5: {  	s25 =	simm.s32 $0x1B8E;
	s24 =	sld [smem:$0x3FFE];
	[sflag:s23] =	ssyncadd.s32 $0xFFFFFFFF  }
0xa6: {  	s26 =	simm.s32 $execute0_lowered;
	[smem:$0x3FD2] =	sst s25  }
0xa7: {  	s6 =	sshll.u32 s26, $0x1;
	_ =	strace $0x80000046;
	[dreg:$0x1] =	wrdreg $0xFFFFFFFF  }
0xa8: {  	s28 =	simm.s32 $_size_execute0_lowered;
	s4 =	sadd.s32 s4, s6;
	[dreg:$0x0] =	wrdreg $0x0  }
0xa9: {  	s6 =	sshll.u32 s28, $0x1;
	[dreg:$0x2] =	wrdreg s4  }
0xaa: {  	[dreg:$0x3] =	wrdreg s6  }
0xab: {  	[dreg:$0x4] =	wrdreg $0xC0  }
0xac: {  	_ =	task [dreg:s8], $0x5FFFF  }
0xad: {  	[dreg:$0x1] =	wrdreg $0xFFFFFFFF  }
0xae: {  	[dreg:$0x0] =	wrdreg $0x60  }
0xaf: {  	[dreg:$0x2] =	wrdreg s2  }
0xb0: {  	[dreg:$0x3] =	wrdreg s24  }
0xb1: {  	[dreg:$0x4] =	wrdreg s18  }
0xb2: {  	[dreg:$0x5] =	wrdreg $0x9  }
0xb3: {  	_ =	task.clear_ibuf [dreg:s8], $0x6FFFF;
	_ =	strace $0x90000046  }
0xb4: {  	s29 =	simm.s32 $0x9;
	_ =	strace $0x80000048  }
0xb5: {  	_ =	swait.ge [sflag:s29], $0x1  }
0xb6: {  	[sflag:s29] =	ssyncadd.s32 $0xFFFFFFFF  }
0xb7: {  	_ =	strace $0x90000048  }
0xb8: {  	_ =	sfence  }
0xb9: {  	s30 =	sld [smem:$0x0];
	_ =	sdelay $0x2  }
0xba: {  	s31 =	sshll.u32 s1, $0xD;
	s1 =	sshrl.u32 s1, $0x2  }
0xbb: {  	s3 =	sand.u32 $0x4000, s31;
	s1 =	sadd.s32 s1, s30  }
0xbc: {  	s0 =	sor.u32 s3, s0;
	s1 =	sshll.u32 s1, $0x11  }
0xbd: {  	s0 =	sor.u32 s1, s0  }
0xbe: {  	s0 =	sadd.s32 $0x8F2B, s0  }
0xbf: {  	[sflag:s0] =	ssyncadd.remote.s32 $0x1  }
0xc0: {  	_ =	sfence.sel $0xFFFF  }
0xc1: {  	[dreg:$0x0] =	wrdreg $0xFFFFFFFF;
	(pc) =	sbr.abs _section_cstart, $3  }
0xc2: {  	[dreg:$0x1] =	wrdreg $0xFFFFFFFF  }
0xc3: {  	_ =	task.clear_ibuf [dreg:s8], $0x2FFFF;
	_ =	strace $0x9FFFFFFF  }
0xc4: {  	(tm) =	ssettm $0x7FFFFFFF  }
0xc5: {  	_ =	shalt  }
tec
execute0_lowered:
.L_overlay_start_1:
0x0: {  	(tag) =	ssettag $0x1  }
0x1: {  	s0 =	rddreg [dreg:$0x0]  }
0x2: {  	s1 =	rddreg [dreg:$0x1]  }
0x3: {  	s2 =	srdreg.scid;
	s4 =	stileid.u32  }
0x4: {  	s3 =	simm.s32 $0x0;
	s9 =	simm.s32 $0x3;
	s30 =	simm.s32 $0x1000  }
0x5: {  	s31 =	simm.s32 $0x1800;
	s10 =	simm.s32 $0x3800;
	s11 =	simm.s32 $0x4000  }
0x6: {  	s12 =	simm.s32 $0x4800;
	s13 =	simm.s32 $0x5000;
	s14 =	simm.s32 $0x5800  }
0x7: {  	s15 =	simm.s32 $0x6000;
	s16 =	simm.s32 $0x6800;
	s17 =	simm.s32 $0x7000  }
0x8: {  	s18 =	simm.s32 $0x7800;
	s19 =	simm.s32 $0x8000;
	s20 =	simm.s32 $0x8800  }
0x9: {  	s28 =	simm.s32 $0xB000;
	s29 =	simm.s32 $0xB800;
	s2 =	sand.u32 $0x1, s2  }
0xa: {  	s4 =	sshll.u32 s4, $0x7;
	[smem:$0x7FF] =	sst s3;
	s5 =	sshll.u32 s2, $0x6  }
0xb: {  	s7 =	sadd.s32 $0x11100, s1;
	s2 =	ssub.s32 $0x2, s2;
	s4 =	sor.u32 s5, s4  }
0xc: {  	_ =	strace $0x80000047;
	s25 =	sshrl.u32 s2, $0x1;
	s5 =	sshrl.u32 s4, $0x3  }
0xd: {  	s6 =	sshll.u32 s4, $0x7;
	s4 =	sshll.u32 s4, $0x4;
	s2 =	ssub.s32 s2, s25  }
0xe: {  	s25 =	simm.s32 $0xA000;
	s5 =	sadd.s32 s5, s1;
	s0 =	sadd.s32 s0, s6  }
0xf: {  	s21 =	sadd.s32 s4, s1;
	[dreg:$0x4] =	wrdreg s0;
	s22 =	sadd.s32 $0x10A00, s5  }
0x10: {  	s4 =	sadd.s32 $0x10E00, s1;
	s23 =	sadd.s32 $0x10C00, s5;
	[dreg:$0x5] =	wrdreg s22  }
0x11: {  	s6 =	sadd.s32 $0x11000, s1;
	s24 =	sadd.s32 $0xA00, s21;
	[dreg:$0x6] =	wrdreg s23  }
0x12: {  	v2 =	vlaneseq.u32;
	s8 =	smax.u32 s2, $0x1;
	s26 =	sadd.s32 $0x8A00, s21;
	[dreg:$0x7] =	wrdreg s24  }
0x13: {  	vm0 =	vmmov $0xffff;
	v1 =	vshrl.u32 v2, $0x3;
	s5 =	sadd.s32 $0x10F00, s1;
	s21 =	simm.s32 $0x9000;
	[dreg:$0x8] =	wrdreg s26  }
0x14: {  	v0 =	vand.u32 $0x7, v2;
	v2 =	vor.u32 $0x8, v2;
	v1 =	vmul.u32 $0x8, v1;
	s22 =	simm.s32 $0x9800;
	s26 =	simm.s32 $0xA800;
	s23 =	simm.s32 $0xC000  }
.LBB2_1:
0x15: {  	s24 =	rddreg [dreg:$0x4]  }
0x16: {  	[tilespmem:s3], [sflag:$0x3] =	stream.linear.gather [hbm4b:s24+s3], $0x10000, $0x38;
	[tilespmem:$0x14100] =	vst v63  }
0x17: {  	_ =	swait.ge [sflag:s9], $0x10000  }
0x18: {  	[sflag:s9] =	ssyncset.done $0x0  }
0x19: {  	s0 =	simm.s32 $0x14000;
	s2 =	rddreg [dreg:$0x5];
	[sflag:s9] =	ssyncadd.s32 $0xFFFF0000  }
0x1a: {  	[tilespmem:s0], [sflag:$0x3] =	stream.linear.gather [hbm4b:s2+s3], $0x40, $0x38;
	[tilespmem:$0x14100] =	vst v63  }
0x1b: {  	_ =	swait.ge [sflag:s9], $0x40  }
0x1c: {  	[sflag:s9] =	ssyncset.done $0x0  }
0x1d: {  	s2 =	simm.s32 $0x14080;
	s1 =	rddreg [dreg:$0x6];
	[sflag:s9] =	ssyncadd.s32 $0xFFFFFFC0  }
0x1e: {  	[tilespmem:s2], [sflag:$0x3] =	stream.linear.gather [hbm4b:s1+s3], $0x40, $0x38;
	[tilespmem:$0x14100] =	vst v63  }
0x1f: {  	_ =	swait.ge [sflag:s9], $0x40  }
0x20: {  	[sflag:s9] =	ssyncset.done $0x0  }
0x21: {  	s2 =	simm.s32 $0x10000;
	s1 =	rddreg [dreg:$0x7];
	[sflag:s9] =	ssyncadd.s32 $0xFFFFFFC0  }
0x22: {  	[tilespmem:s2], [sflag:$0x3] =	stream.linear.gather [hbm4b:s1+s3], $0x2000, $0x38;
	[tilespmem:$0x14100] =	vst v63  }
0x23: {  	_ =	swait.ge [sflag:s9], $0x2000  }
0x24: {  	[sflag:s9] =	ssyncset.done $0x0  }
0x25: {  	s1 =	simm.s32 $0x12000;
	s0 =	rddreg [dreg:$0x8];
	[sflag:s9] =	ssyncadd.s32 $0xFFFFE000  }
0x26: {  	[tilespmem:s1], [sflag:$0x3] =	stream.linear.gather [hbm4b:s0+s3], $0x2000, $0x38;
	[tilespmem:$0x14100] =	vst v63  }
0x27: {  	_ =	swait.ge [sflag:s9], $0x2000  }
0x28: {  	[sflag:s9] =	ssyncset.done $0x0  }
0x29: {  	[sflag:s9] =	ssyncadd.s32 $0xFFFFE000  }
0x2a: {  	v3 =	vld [tilespmem:$0x14000];
	_ =	sdelay $0x4  }
0x2b: {  	v4 =	vshll.u32 v3, $0x3  }
0x2c: {  	v3 =	vand.u32 $0x7, v3;
	v4 =	vand.u32 $0xFFFFFFC0, v4  }
0x2d: {  	v3 =	vor.u32 v3, v4  }
0x2e: {  	v4 =	vperm.xlane v3, v0;
	_ =	sdelay $0x1  }
0x2f: {  	v4 =	vadd.s32 v1, v4;
	_ =	sdelay $0x4  }
0x30: {  	[hbm4b:s4+s3] =	stream.indirect_vreg.scatter [tilespmem:s3], [sflag:$0x1], $0x80, v4, vm0, $0xb8;
	[tilespmem:$0x14100] =	vst v63  }
0x31: {  	s24 =	simm.s32 $0x800;
	v3 =	vperm.xlane v3, v2  }
0x32: {  	[hbm4b:s5+s3] =	stream.indirect_vreg.scatter [tilespmem:s24], [sflag:$0x1], $0x80, v4, vm0, $0xb8;
	[tilespmem:$0x14100] =	vst v63  }
0x33: {  	v3 =	vadd.s32 v1, v3  }
0x34: {  	[hbm4b:s6+s3] =	stream.indirect_vreg.scatter [tilespmem:s30], [sflag:$0x1], $0x80, v4, vm0, $0xb8;
	[tilespmem:$0x14100] =	vst v63  }
0x35: {  	_ = 	snop  }
0x36: {  	[hbm4b:s7+s3] =	stream.indirect_vreg.scatter [tilespmem:s31], [sflag:$0x1], $0x80, v4, vm0, $0xb8;
	[tilespmem:$0x14100] =	vst v63  }
0x37: {  	s2 =	simm.s32 $0x2000  }
0x38: {  	[hbm4b:s4+s3] =	stream.indirect_vreg.scatter [tilespmem:s2], [sflag:$0x1], $0x80, v3, vm0, $0xb8;
	[tilespmem:$0x14100] =	vst v63  }
0x39: {  	s1 =	simm.s32 $0x2800  }
0x3a: {  	[hbm4b:s5+s3] =	stream.indirect_vreg.scatter [tilespmem:s1], [sflag:$0x1], $0x80, v3, vm0, $0xb8;
	[tilespmem:$0x14100] =	vst v63  }
0x3b: {  	s2 =	simm.s32 $0x3000  }
0x3c: {  	[hbm4b:s6+s3] =	stream.indirect_vreg.scatter [tilespmem:s2], [sflag:$0x1], $0x80, v3, vm0, $0xb8;
	[tilespmem:$0x14100] =	vst v63  }
0x3d: {  	_ = 	snop  }
0x3e: {  	[hbm4b:s7+s3] =	stream.indirect_vreg.scatter [tilespmem:s10], [sflag:$0x1], $0x80, v3, vm0, $0xb8;
	[tilespmem:$0x14100] =	vst v63  }
0x3f: {  	v3 =	vld [tilespmem:$0x14010];
	_ =	sdelay $0x4  }
0x40: {  	v57 =	vshll.u32 v3, $0x3  }
0x41: {  	v3 =	vand.u32 $0x7, v3;
	v4 =	vand.u32 $0xFFFFFFC0, v57  }
0x42: {  	v3 =	vor.u32 v3, v4  }
0x43: {  	v4 =	vperm.xlane v3, v0;
	_ =	sdelay $0x1  }
0x44: {  	v4 =	vadd.s32 v1, v4;
	_ =	sdelay $0x4  }
0x45: {  	[hbm4b:s4+s3] =	stream.indirect_vreg.scatter [tilespmem:s11], [sflag:$0x1], $0x80, v4, vm0, $0xb8;
	[tilespmem:$0x14100] =	vst v63  }
0x46: {  	v3 =	vperm.xlane v3, v2  }
0x47: {  	[hbm4b:s5+s3] =	stream.indirect_vreg.scatter [tilespmem:s12], [sflag:$0x1], $0x80, v4, vm0, $0xb8;
	[tilespmem:$0x14100] =	vst v63  }
0x48: {  	v3 =	vadd.s32 v1, v3  }
0x49: {  	[hbm4b:s6+s3] =	stream.indirect_vreg.scatter [tilespmem:s13], [sflag:$0x1], $0x80, v4, vm0, $0xb8;
	[tilespmem:$0x14100] =	vst v63  }
0x4a: {  	_ = 	snop  }
0x4b: {  	[hbm4b:s7+s3] =	stream.indirect_vreg.scatter [tilespmem:s14], [sflag:$0x1], $0x80, v4, vm0, $0xb8;
	[tilespmem:$0x14100] =	vst v63  }
0x4c: {  	_ = 	snop  }
0x4d: {  	[hbm4b:s4+s3] =	stream.indirect_vreg.scatter [tilespmem:s15], [sflag:$0x1], $0x80, v3, vm0, $0xb8;
	[tilespmem:$0x14100] =	vst v63  }
0x4e: {  	_ = 	snop  }
0x4f: {  	[hbm4b:s5+s3] =	stream.indirect_vreg.scatter [tilespmem:s16], [sflag:$0x1], $0x80, v3, vm0, $0xb8;
	[tilespmem:$0x14100] =	vst v63  }
0x50: {  	_ = 	snop  }
0x51: {  	[hbm4b:s6+s3] =	stream.indirect_vreg.scatter [tilespmem:s17], [sflag:$0x1], $0x80, v3, vm0, $0xb8;
	[tilespmem:$0x14100] =	vst v63  }
0x52: {  	_ = 	snop  }
0x53: {  	[hbm4b:s7+s3] =	stream.indirect_vreg.scatter [tilespmem:s18], [sflag:$0x1], $0x80, v3, vm0, $0xb8;
	[tilespmem:$0x14100] =	vst v63  }
0x54: {  	v3 =	vld [tilespmem:$0x14020];
	_ =	sdelay $0x4  }
0x55: {  	v58 =	vshll.u32 v3, $0x3  }
0x56: {  	v3 =	vand.u32 $0x7, v3;
	v4 =	vand.u32 $0xFFFFFFC0, v58  }
0x57: {  	v3 =	vor.u32 v3, v4  }
0x58: {  	v4 =	vperm.xlane v3, v0;
	_ =	sdelay $0x1  }
0x59: {  	v4 =	vadd.s32 v1, v4;
	_ =	sdelay $0x4  }
0x5a: {  	[hbm4b:s4+s3] =	stream.indirect_vreg.scatter [tilespmem:s19], [sflag:$0x1], $0x80, v4, vm0, $0xb8;
	[tilespmem:$0x14100] =	vst v63  }
0x5b: {  	v3 =	vperm.xlane v3, v2  }
0x5c: {  	[hbm4b:s5+s3] =	stream.indirect_vreg.scatter [tilespmem:s20], [sflag:$0x1], $0x80, v4, vm0, $0xb8;
	[tilespmem:$0x14100] =	vst v63  }
0x5d: {  	v3 =	vadd.s32 v1, v3  }
0x5e: {  	[hbm4b:s6+s3] =	stream.indirect_vreg.scatter [tilespmem:s21], [sflag:$0x1], $0x80, v4, vm0, $0xb8;
	[tilespmem:$0x14100] =	vst v63  }
0x5f: {  	_ = 	snop  }
0x60: {  	[hbm4b:s7+s3] =	stream.indirect_vreg.scatter [tilespmem:s22], [sflag:$0x1], $0x80, v4, vm0, $0xb8;
	[tilespmem:$0x14100] =	vst v63  }
0x61: {  	_ = 	snop  }
0x62: {  	[hbm4b:s4+s3] =	stream.indirect_vreg.scatter [tilespmem:s25], [sflag:$0x1], $0x80, v3, vm0, $0xb8;
	[tilespmem:$0x14100] =	vst v63  }
0x63: {  	_ = 	snop  }
0x64: {  	[hbm4b:s5+s3] =	stream.indirect_vreg.scatter [tilespmem:s26], [sflag:$0x1], $0x80, v3, vm0, $0xb8;
	[tilespmem:$0x14100] =	vst v63  }
0x65: {  	_ = 	snop  }
0x66: {  	[hbm4b:s6+s3] =	stream.indirect_vreg.scatter [tilespmem:s28], [sflag:$0x1], $0x80, v3, vm0, $0xb8;
	[tilespmem:$0x14100] =	vst v63  }
0x67: {  	_ = 	snop  }
0x68: {  	[hbm4b:s7+s3] =	stream.indirect_vreg.scatter [tilespmem:s29], [sflag:$0x1], $0x80, v3, vm0, $0xb8;
	[tilespmem:$0x14100] =	vst v63  }
0x69: {  	v3 =	vld [tilespmem:$0x14030];
	_ =	sdelay $0x4  }
0x6a: {  	v59 =	vshll.u32 v3, $0x3  }
0x6b: {  	v3 =	vand.u32 $0x7, v3;
	v4 =	vand.u32 $0xFFFFFFC0, v59  }
0x6c: {  	v3 =	vor.u32 v3, v4  }
0x6d: {  	v4 =	vperm.xlane v3, v0;
	_ =	sdelay $0x1  }
0x6e: {  	v4 =	vadd.s32 v1, v4;
	_ =	sdelay $0x4  }
0x6f: {  	[hbm4b:s4+s3] =	stream.indirect_vreg.scatter [tilespmem:s23], [sflag:$0x1], $0x80, v4, vm0, $0xb8;
	[tilespmem:$0x14100] =	vst v63  }
0x70: {  	s0 =	simm.s32 $0xC800;
	v3 =	vperm.xlane v3, v2  }
0x71: {  	[hbm4b:s5+s3] =	stream.indirect_vreg.scatter [tilespmem:s0], [sflag:$0x1], $0x80, v4, vm0, $0xb8;
	[tilespmem:$0x14100] =	vst v63  }
0x72: {  	v3 =	vadd.s32 v1, v3;
	s0 =	simm.s32 $0xD000  }
0x73: {  	[hbm4b:s6+s3] =	stream.indirect_vreg.scatter [tilespmem:s0], [sflag:$0x1], $0x80, v4, vm0, $0xb8;
	[tilespmem:$0x14100] =	vst v63  }
0x74: {  	s0 =	simm.s32 $0xD800  }
0x75: {  	[hbm4b:s7+s3] =	stream.indirect_vreg.scatter [tilespmem:s0], [sflag:$0x1], $0x80, v4, vm0, $0xb8;
	[tilespmem:$0x14100] =	vst v63  }
0x76: {  	s0 =	simm.s32 $0xE000  }
0x77: {  	[hbm4b:s4+s3] =	stream.indirect_vreg.scatter [tilespmem:s0], [sflag:$0x1], $0x80, v3, vm0, $0xb8;
	[tilespmem:$0x14100] =	vst v63  }
0x78: {  	s0 =	simm.s32 $0xE800  }
0x79: {  	[hbm4b:s5+s3] =	stream.indirect_vreg.scatter [tilespmem:s0], [sflag:$0x1], $0x80, v3, vm0, $0xb8;
	[tilespmem:$0x14100] =	vst v63  }
0x7a: {  	s0 =	simm.s32 $0xF000  }
0x7b: {  	[hbm4b:s6+s3] =	stream.indirect_vreg.scatter [tilespmem:s0], [sflag:$0x1], $0x80, v3, vm0, $0xb8;
	[tilespmem:$0x14100] =	vst v63  }
0x7c: {  	s0 =	simm.s32 $0xF800  }
0x7d: {  	[hbm4b:s7+s3] =	stream.indirect_vreg.scatter [tilespmem:s0], [sflag:$0x1], $0x80, v3, vm0, $0xb8;
	[tilespmem:$0x14100] =	vst v63  }
0x7e: {  	v3 =	vld [tilespmem:$0x14080];
	_ =	sdelay $0x4  }
0x7f: {  	v60 =	vshll.u32 v3, $0x3  }
0x80: {  	v3 =	vand.u32 $0x7, v3;
	v4 =	vand.u32 $0xFFFFFFC0, v60  }
0x81: {  	v3 =	vor.u32 v3, v4  }
0x82: {  	v4 =	vperm.xlane v3, v0;
	_ =	sdelay $0x1  }
0x83: {  	v4 =	vadd.s32 v1, v4;
	_ =	sdelay $0x4  }
0x84: {  	[hbm4b:s4+s3] =	stream.indirect_vreg.scatter [tilespmem:s3], [sflag:$0x2], $0x80, v4, vm0, $0xb8;
	[tilespmem:$0x14100] =	vst v63  }
0x85: {  	v3 =	vperm.xlane v3, v2  }
0x86: {  	[hbm4b:s5+s3] =	stream.indirect_vreg.scatter [tilespmem:s24], [sflag:$0x2], $0x80, v4, vm0, $0xb8;
	[tilespmem:$0x14100] =	vst v63  }
0x87: {  	v3 =	vadd.s32 v1, v3  }
0x88: {  	[hbm4b:s6+s3] =	stream.indirect_vreg.scatter [tilespmem:s30], [sflag:$0x2], $0x80, v4, vm0, $0xb8;
	[tilespmem:$0x14100] =	vst v63  }
0x89: {  	_ = 	snop  }
0x8a: {  	[hbm4b:s7+s3] =	stream.indirect_vreg.scatter [tilespmem:s31], [sflag:$0x2], $0x80, v4, vm0, $0xb8;
	[tilespmem:$0x14100] =	vst v63  }
0x8b: {  	s24 =	simm.s32 $0x2000  }
0x8c: {  	[hbm4b:s4+s3] =	stream.indirect_vreg.scatter [tilespmem:s24], [sflag:$0x2], $0x80, v3, vm0, $0xb8;
	[tilespmem:$0x14100] =	vst v63  }
0x8d: {  	_ = 	snop  }
0x8e: {  	[hbm4b:s5+s3] =	stream.indirect_vreg.scatter [tilespmem:s1], [sflag:$0x2], $0x80, v3, vm0, $0xb8;
	[tilespmem:$0x14100] =	vst v63  }
0x8f: {  	_ = 	snop  }
0x90: {  	[hbm4b:s6+s3] =	stream.indirect_vreg.scatter [tilespmem:s2], [sflag:$0x2], $0x80, v3, vm0, $0xb8;
	[tilespmem:$0x14100] =	vst v63  }
0x91: {  	_ = 	snop  }
0x92: {  	[hbm4b:s7+s3] =	stream.indirect_vreg.scatter [tilespmem:s10], [sflag:$0x2], $0x80, v3, vm0, $0xb8;
	[tilespmem:$0x14100] =	vst v63  }
0x93: {  	v3 =	vld [tilespmem:$0x14090];
	_ =	sdelay $0x4  }
0x94: {  	v61 =	vshll.u32 v3, $0x3  }
0x95: {  	v3 =	vand.u32 $0x7, v3;
	v4 =	vand.u32 $0xFFFFFFC0, v61  }
0x96: {  	v3 =	vor.u32 v3, v4  }
0x97: {  	v4 =	vperm.xlane v3, v0;
	_ =	sdelay $0x1  }
0x98: {  	v4 =	vadd.s32 v1, v4;
	_ =	sdelay $0x4  }
0x99: {  	[hbm4b:s4+s3] =	stream.indirect_vreg.scatter [tilespmem:s11], [sflag:$0x2], $0x80, v4, vm0, $0xb8;
	[tilespmem:$0x14100] =	vst v63  }
0x9a: {  	v3 =	vperm.xlane v3, v2  }
0x9b: {  	[hbm4b:s5+s3] =	stream.indirect_vreg.scatter [tilespmem:s12], [sflag:$0x2], $0x80, v4, vm0, $0xb8;
	[tilespmem:$0x14100] =	vst v63  }
0x9c: {  	v3 =	vadd.s32 v1, v3  }
0x9d: {  	[hbm4b:s6+s3] =	stream.indirect_vreg.scatter [tilespmem:s13], [sflag:$0x2], $0x80, v4, vm0, $0xb8;
	[tilespmem:$0x14100] =	vst v63  }
0x9e: {  	_ = 	snop  }
0x9f: {  	[hbm4b:s7+s3] =	stream.indirect_vreg.scatter [tilespmem:s14], [sflag:$0x2], $0x80, v4, vm0, $0xb8;
	[tilespmem:$0x14100] =	vst v63  }
0xa0: {  	_ = 	snop  }
0xa1: {  	[hbm4b:s4+s3] =	stream.indirect_vreg.scatter [tilespmem:s15], [sflag:$0x2], $0x80, v3, vm0, $0xb8;
	[tilespmem:$0x14100] =	vst v63  }
0xa2: {  	_ = 	snop  }
0xa3: {  	[hbm4b:s5+s3] =	stream.indirect_vreg.scatter [tilespmem:s16], [sflag:$0x2], $0x80, v3, vm0, $0xb8;
	[tilespmem:$0x14100] =	vst v63  }
0xa4: {  	_ = 	snop  }
0xa5: {  	[hbm4b:s6+s3] =	stream.indirect_vreg.scatter [tilespmem:s17], [sflag:$0x2], $0x80, v3, vm0, $0xb8;
	[tilespmem:$0x14100] =	vst v63  }
0xa6: {  	_ = 	snop  }
0xa7: {  	[hbm4b:s7+s3] =	stream.indirect_vreg.scatter [tilespmem:s18], [sflag:$0x2], $0x80, v3, vm0, $0xb8;
	[tilespmem:$0x14100] =	vst v63  }
0xa8: {  	v3 =	vld [tilespmem:$0x140A0];
	_ =	sdelay $0x4  }
0xa9: {  	v62 =	vshll.u32 v3, $0x3  }
0xaa: {  	v3 =	vand.u32 $0x7, v3;
	v4 =	vand.u32 $0xFFFFFFC0, v62  }
0xab: {  	v3 =	vor.u32 v3, v4  }
0xac: {  	v4 =	vperm.xlane v3, v0;
	_ =	sdelay $0x1  }
0xad: {  	v4 =	vadd.s32 v1, v4;
	_ =	sdelay $0x4  }
0xae: {  	[hbm4b:s4+s3] =	stream.indirect_vreg.scatter [tilespmem:s19], [sflag:$0x2], $0x80, v4, vm0, $0xb8;
	[tilespmem:$0x14100] =	vst v63  }
0xaf: {  	v3 =	vperm.xlane v3, v2  }
0xb0: {  	[hbm4b:s5+s3] =	stream.indirect_vreg.scatter [tilespmem:s20], [sflag:$0x2], $0x80, v4, vm0, $0xb8;
	[tilespmem:$0x14100] =	vst v63  }
0xb1: {  	v3 =	vadd.s32 v1, v3  }
0xb2: {  	[hbm4b:s6+s3] =	stream.indirect_vreg.scatter [tilespmem:s21], [sflag:$0x2], $0x80, v4, vm0, $0xb8;
	[tilespmem:$0x14100] =	vst v63  }
0xb3: {  	_ = 	snop  }
0xb4: {  	[hbm4b:s7+s3] =	stream.indirect_vreg.scatter [tilespmem:s22], [sflag:$0x2], $0x80, v4, vm0, $0xb8;
	[tilespmem:$0x14100] =	vst v63  }
0xb5: {  	_ = 	snop  }
0xb6: {  	[hbm4b:s4+s3] =	stream.indirect_vreg.scatter [tilespmem:s25], [sflag:$0x2], $0x80, v3, vm0, $0xb8;
	[tilespmem:$0x14100] =	vst v63  }
0xb7: {  	_ = 	snop  }
0xb8: {  	[hbm4b:s5+s3] =	stream.indirect_vreg.scatter [tilespmem:s26], [sflag:$0x2], $0x80, v3, vm0, $0xb8;
	[tilespmem:$0x14100] =	vst v63  }
0xb9: {  	_ = 	snop  }
0xba: {  	[hbm4b:s6+s3] =	stream.indirect_vreg.scatter [tilespmem:s28], [sflag:$0x2], $0x80, v3, vm0, $0xb8;
	[tilespmem:$0x14100] =	vst v63  }
0xbb: {  	_ = 	snop  }
0xbc: {  	[hbm4b:s7+s3] =	stream.indirect_vreg.scatter [tilespmem:s29], [sflag:$0x2], $0x80, v3, vm0, $0xb8;
	[tilespmem:$0x14100] =	vst v63  }
0xbd: {  	v3 =	vld [tilespmem:$0x140B0];
	_ =	sdelay $0x4  }
0xbe: {  	v63 =	vshll.u32 v3, $0x3  }
0xbf: {  	v3 =	vand.u32 $0x7, v3;
	v4 =	vand.u32 $0xFFFFFFC0, v63  }
0xc0: {  	v3 =	vor.u32 v3, v4  }
0xc1: {  	v4 =	vperm.xlane v3, v0;
	_ =	sdelay $0x1  }
0xc2: {  	v4 =	vadd.s32 v1, v4;
	_ =	sdelay $0x4  }
0xc3: {  	[hbm4b:s4+s3] =	stream.indirect_vreg.scatter [tilespmem:s23], [sflag:$0x2], $0x80, v4, vm0, $0xb8;
	[tilespmem:$0x14100] =	vst v63  }
0xc4: {  	s1 =	simm.s32 $0xC800;
	v3 =	vperm.xlane v3, v2  }
0xc5: {  	[hbm4b:s5+s3] =	stream.indirect_vreg.scatter [tilespmem:s1], [sflag:$0x2], $0x80, v4, vm0, $0xb8;
	[tilespmem:$0x14100] =	vst v63  }
0xc6: {  	s2 =	simm.s32 $0xD000;
	v3 =	vadd.s32 v1, v3  }
0xc7: {  	[hbm4b:s6+s3] =	stream.indirect_vreg.scatter [tilespmem:s2], [sflag:$0x2], $0x80, v4, vm0, $0xb8;
	[tilespmem:$0x14100] =	vst v63  }
0xc8: {  	s24 =	simm.s32 $0xD800  }
0xc9: {  	[hbm4b:s7+s3] =	stream.indirect_vreg.scatter [tilespmem:s24], [sflag:$0x2], $0x80, v4, vm0, $0xb8;
	[tilespmem:$0x14100] =	vst v63  }
0xca: {  	s1 =	simm.s32 $0xE000  }
0xcb: {  	[hbm4b:s4+s3] =	stream.indirect_vreg.scatter [tilespmem:s1], [sflag:$0x2], $0x80, v3, vm0, $0xb8;
	[tilespmem:$0x14100] =	vst v63  }
0xcc: {  	s2 =	simm.s32 $0xE800  }
0xcd: {  	[hbm4b:s5+s3] =	stream.indirect_vreg.scatter [tilespmem:s2], [sflag:$0x2], $0x80, v3, vm0, $0xb8;
	[tilespmem:$0x14100] =	vst v63  }
0xce: {  	s24 =	simm.s32 $0xF000  }
0xcf: {  	[hbm4b:s6+s3] =	stream.indirect_vreg.scatter [tilespmem:s24], [sflag:$0x2], $0x80, v3, vm0, $0xb8;
	[tilespmem:$0x14100] =	vst v63  }
0xd0: {  	s0 =	simm.s32 $0x40;
	s1 =	simm.s32 $0xF800  }
0xd1: {  	[hbm4b:s7+s3] =	stream.indirect_vreg.scatter [tilespmem:s1], [sflag:$0x2], $0x80, v3, vm0, $0xb8;
	[tilespmem:$0x14100] =	vst v63  }
0xd2: {  	s2 =	simm.s32 $0x10000;
	s24 =	rddreg [dreg:$0x2];
	s1 =	simm.s32 $0x14000  }
0xd3: {  	[hbm4b:s24+s0] =	stream.indirect.scatter [tilespmem:s2], [sflag:$0x1], $0x80, s1, s0, $0xb8;
	[tilespmem:$0x14100] =	vst v63  }
0xd4: {  	s1 =	simm.s32 $0x14080;
	s2 =	simm.s32 $0x12000  }
0xd5: {  	[hbm4b:s24+s0] =	stream.indirect.scatter [tilespmem:s2], [sflag:$0x2], $0x80, s1, s0, $0xb8;
	[tilespmem:$0x14100] =	vst v63  }
0xd6: {  	s2 =	simm.s32 $0x1  }
0xd7: {  	_ =	swait.ge [sflag:s2], $0x10000  }
0xd8: {  	[sflag:s2] =	ssyncset.done $0x0  }
0xd9: {  	s24 =	simm.s32 $0x2;
	[sflag:s2] =	ssyncadd.s32 $0xFFFF0000  }
0xda: {  	_ =	swait.ge [sflag:s24], $0x10000  }
0xdb: {  	[sflag:s24] =	ssyncset.done $0x0  }
0xdc: {  	[sflag:s24] =	ssyncadd.s32 $0xFFFF0000  }
0xdd: {  	p0 =	sne.s32 s8, $0x1;
	_ =	swait.ge [sflag:s2], $0x2000  }
.Ltmp0:
0xde: {  	[sflag:s2] =	ssyncset.done $0x0;
	(pc) =	sbr.rel @p0 .LBB2_1-.Ltmp0, $4  }
0xdf: {  	[sflag:s2] =	ssyncadd.s32 $0xFFFFE000  }
0xe0: {  	_ =	swait.ge [sflag:s24], $0x2000  }
0xe1: {  	[sflag:s24] =	ssyncset.done $0x0  }
0xe2: {  	s8 =	sadd.s32 $0xFFFFFFFF, s8;
	[sflag:s24] =	ssyncadd.s32 $0xFFFFE000  }
0xe3: {  	_ =	sfence.sel $0x180000  }
0xe4: {  	[bflag:$0x0] =	sbarrier.arrive $0xFFFF  }
0xe5: {  	_ =	strace $0x90000047  }
0xe6: {  	s0 =	stileid.u32;
	[bflag:$0x2] =	sbarrier.arrive $0xFFFF  }
0xe7: {  	p0 =	sne.s32 s0, $0x0;
	s0 =	rddreg [dreg:$0x3]  }
0xe8: {  	s0 =	sadd.s32 @!p0 $0x100000, s0  }
0xe9: {  	[sflag:s0] =	ssyncadd.tile.s32 @!p0 $0x1;
	_ =	shalt  }
.Lfunc_end2:
_tile_overlayer_lowered:
.L_overlay_start_2:
0xea: {  	(tag) =	ssettag $0x2  }
0xeb: {  	s0 =	rddreg [dreg:$0x0];
	s2 =	stileid.u32  }
0xec: {  	s1 =	rddreg [dreg:$0x1];
	p0 =	sne.s32 s2, $0x0  }
0xed: {  	s3 =	rddreg [dreg:$0x2];
	[bflag:$0x3] =	sbarrier.arrive $0xFFFF;
	s2 =	simm.s32 @!p0 $0x1C03  }
0xee: {  	[timem:s3], [sflag:s2] =	dma.local @!p0 [hbm:s0], s1  }
0xef: {  	s0 =	simm.s32 @!p0 $0x3  }
0xf0: {  	_ =	swait.ge @!p0 [sflag:s0], s1  }
0xf1: {  	s1 =	ssub.s32 @!p0 $0x0, s1;
	[sflag:s0] =	ssyncset.done @!p0 $0x0  }
0xf2: {  	[sflag:s0] =	ssyncadd.s32 @!p0 s1  }
0xf3: {  	[bflag:$0x3] =	sbarrier.arrive $0xFFFF  }
0xf4: {  	_ =	shalt  }

// kernel: kernel.9.cloned.1.call-start
scs
__scs_entry_jumppad:
0x0: {  	(pc) =	sbr.rel $0x88, $3  }
0x1: {  	(tag) =	ssettag $0x0;
	lr =	simm.s32 $0x1  }
0x2: {  	[smem:$0x3F9B] =	sst lr;
	_ =	strace $0xD0000000  }
0x3: {  	_ = 	snop  }
0x4: {  	_ = 	snop  }
0x5: {  	_ = 	snop  }
0x6: {  	_ = 	snop  }
0x7: {  	_ = 	snop  }
__scs_overlays_trampoline_lowered:
0x8: {  	[smem:$0x3FAA] =	sst s0  }
0x9: {  	[smem:$0x3FAB] =	sst s1  }
0xa: {  	[smem:$0x3FAC] =	sst s2  }
0xb: {  	[smem:$0x3FAD] =	sst s3  }
0xc: {  	[smem:$0x3FAE] =	sst s4  }
0xd: {  	[smem:$0x3FAF] =	sst s5  }
0xe: {  	[smem:$0x3FB0] =	sst s6  }
0xf: {  	[smem:$0x3FB1] =	sst s7  }
0x10: {  	[smem:$0x3FB2] =	sst s8  }
0x11: {  	[smem:$0x3FB3] =	sst s9;
	s0 =	simm.s32 @!p0 $0x0  }
0x12: {  	s1 =	sld [smem:$0x3F99];
	s0 =	simm.s32 @p0 $0x1  }
0x13: {  	[smem:$0x3FB4] =	sst s0;
	s0 =	simm.s32 @!p1 $0x0  }
0x14: {  	s2 =	sld [smem:$0x3F98];
	s0 =	simm.s32 @p1 $0x1  }
0x15: {  	[smem:$0x3FB5] =	sst s0;
	s0 =	simm.s32 @!p2 $0x0  }
0x16: {  	s3 =	sld [smem:$0x3FDB];
	s0 =	simm.s32 @p2 $0x1  }
0x17: {  	s4 =	simm.s32 $0x1BF5;
	[smem:$0x3FB7] =	sst s0  }
0x18: {  	s0 =	sld [smem:$0x3F9A];
	_ =	swait.ge [sflag:s4], $0x0  }
0x19: {  	s7 =	sld [smem:$0x3F9B]  }
0x1a: {  	s8 =	sadd.s32 $0xFFFFE003, lr  }
0x1b: {  	s9 =	sadd.s32 $0xFFFFFEF7, lr;
	s5 =	simm.s32 $0xFFFFFFFF;
	p2 =	slt.u32 s8, $0xFFFFF086  }
0x1c: {  	p1 =	slt.u32 s9, $0xF7A;
	s5 =	simm.s32 @!p2 $0x0  }
0x1d: {  	s5 =	simm.s32 @p1 $0x1;
	p0 =	seq.s32 s7, s2  }
0x1e: {  	s7 =	smul.u32 @!p0 $0xF7A, s2;
	p2 =	seq.s32 @!p0 s5, $0x0  }
0x1f: {  	s9 =	smul.u32 $0xF7A, s1;
	s8 =	simm.s32 @!p0 $0x1BF5;
	p2 =	por !p2, p0  }
0x20: {  	[sflag:s8] =	ssyncset.s32 @!p0 $0xFFFFF086;
	s6 =	sadd.s32 @!p0 s3, s7;
	s7 =	simm.s32 @!p0 $0x108  }
0x21: {  	s3 =	sadd.s32 s3, s9;
	s6 =	sadd.s32 @!p0 $0x88, s6;
	s7 =	simm.s32 @p2 $0x1082  }
0x22: {  	[simem:s7], [sflag:s8] =	dma.local @!p0 [hbm:s6], $0xF7A  }
0x23: {  	s9 =	sor.u32 $0xD0000000, s2;
	s6 =	simm.s32 $0x108;
	_ =	swait.ge @!p0 [sflag:s8], $0x0  }
0x24: {  	s3 =	sadd.s32 $0x88, s3;
	s6 =	simm.s32 @!p1 $0x1082;
	[sflag:s4] =	ssyncset.s32 $0xFFFFF086  }
0x25: {  	[simem:s6], [sflag:s4] =	dma.local [hbm:s3], $0xF7A  }
0x26: {  	[smem:$0x3F9B] =	sst s1;
	(tag) =	ssettag s2;
	_ =	strace s9  }
0x27: {  	s1 =	sld [smem:$0x3FAB]  }
0x28: {  	s2 =	sld [smem:$0x3FAC]  }
0x29: {  	s4 =	sld [smem:$0x3FAE]  }
0x2a: {  	p0 =	seq.s32 s5, $0x0;
	s5 =	sld [smem:$0x3FAF]  }
0x2b: {  	s6 =	sld [smem:$0x3FB0]  }
0x2c: {  	s7 =	sld [smem:$0x3FB1]  }
0x2d: {  	s3 =	simm.s32 $0x108;
	s8 =	sld [smem:$0x3FB2]  }
0x2e: {  	s3 =	simm.s32 @!p0 $0x1082;
	s9 =	sld [smem:$0x3FB3]  }
0x2f: {  	lr =	sadd.s32 s0, s3;
	s0 =	sld [smem:$0x3FAA]  }
0x30: {  	s3 =	sld [smem:$0x3FAD]  }
0x31: {  	[smem:$0x3FB6] =	sst s10  }
0x32: {  	s10 =	sld [smem:$0x3FB4];
	_ =	sdelay $0x3  }
0x33: {  	p0 =	seq.s32 s10, $0x1;
	s10 =	sld [smem:$0x3FB6];
	_ =	sdelay $0x3  }
0x34: {  	[smem:$0x3FB6] =	sst s10  }
0x35: {  	s10 =	sld [smem:$0x3FB5];
	_ =	sdelay $0x3  }
0x36: {  	p1 =	seq.s32 s10, $0x1;
	s10 =	sld [smem:$0x3FB6];
	_ =	sdelay $0x3  }
0x37: {  	[smem:$0x3FB6] =	sst s10  }
0x38: {  	s10 =	sld [smem:$0x3FB7]  }
0x39: {  	_ = 	snop;
	(pc) =	sbr.ind lr, $3  }
0x3a: {  	_ = 	snop  }
0x3b: {  	_ = 	snop  }
0x3c: {  	p2 =	seq.s32 s10, $0x1;
	s10 =	sld [smem:$0x3FB6]  }
0x3d: {  	_ =	shalt  }
0x3e: {  	_ =	shalt  }
0x3f: {  	_ =	shalt  }
0x40: {  	_ =	shalt  }
0x41: {  	_ =	shalt  }
0x42: {  	_ =	shalt  }
0x43: {  	_ =	shalt  }
0x44: {  	_ =	shalt  }
0x45: {  	_ =	shalt  }
0x46: {  	_ =	shalt  }
0x47: {  	_ =	shalt  }
0x48: {  	_ =	shalt  }
0x49: {  	_ =	shalt  }
0x4a: {  	_ =	shalt  }
0x4b: {  	_ =	shalt  }
0x4c: {  	_ =	shalt  }
0x4d: {  	_ =	shalt  }
0x4e: {  	_ =	shalt  }
0x4f: {  	_ =	shalt  }
0x50: {  	_ =	shalt  }
0x51: {  	_ =	shalt  }
0x52: {  	_ =	shalt  }
0x53: {  	_ =	shalt  }
0x54: {  	_ =	shalt  }
0x55: {  	_ =	shalt  }
0x56: {  	_ =	shalt  }
0x57: {  	_ =	shalt  }
0x58: {  	_ =	shalt  }
0x59: {  	_ =	shalt  }
0x5a: {  	_ =	shalt  }
0x5b: {  	_ =	shalt  }
0x5c: {  	_ =	shalt  }
0x5d: {  	_ =	shalt  }
0x5e: {  	_ =	shalt  }
0x5f: {  	_ =	shalt  }
0x60: {  	_ =	shalt  }
0x61: {  	_ =	shalt  }
0x62: {  	_ =	shalt  }
0x63: {  	_ =	shalt  }
0x64: {  	_ =	shalt  }
0x65: {  	_ =	shalt  }
0x66: {  	_ =	shalt  }
0x67: {  	_ =	shalt  }
0x68: {  	_ =	shalt  }
0x69: {  	_ =	shalt  }
0x6a: {  	_ =	shalt  }
0x6b: {  	_ =	shalt  }
0x6c: {  	_ =	shalt  }
0x6d: {  	_ =	shalt  }
0x6e: {  	_ =	shalt  }
0x6f: {  	_ =	shalt  }
0x70: {  	_ =	shalt  }
0x71: {  	_ =	shalt  }
0x72: {  	_ =	shalt  }
0x73: {  	_ =	shalt  }
0x74: {  	_ =	shalt  }
0x75: {  	_ =	shalt  }
0x76: {  	_ =	shalt  }
0x77: {  	_ =	shalt  }
0x78: {  	_ =	shalt  }
0x79: {  	_ =	shalt  }
0x7a: {  	_ =	shalt  }
0x7b: {  	_ =	shalt  }
0x7c: {  	_ =	shalt  }
0x7d: {  	_ =	shalt  }
0x7e: {  	_ =	shalt  }
0x7f: {  	_ =	shalt  }
0x80: {  	_ =	shalt  }
0x81: {  	_ =	shalt  }
0x82: {  	_ =	shalt  }
0x83: {  	_ =	shalt  }
0x84: {  	_ =	shalt  }
0x85: {  	_ =	shalt  }
0x86: {  	_ =	shalt  }
0x87: {  	_ =	shalt  }
.Lfunc_end0:
.L_simem_size_0:
called_computation.1_lowered:
.L_overlay_start_0:
0x88: {  	s2 =	sld [smem:$0x3FD9]  }
0x89: {  	s3 =	sld [smem:$0x3FFE];
	_ =	sdelay $0x1  }
0x8a: {  	s1 =	srdreg.scid  }
0x8b: {  	s0 =	sand.u32 $0x1, s1  }
0x8c: {  	s17 =	sshll.u32 s0, $0xA;
	s2 =	sadd.s32 s3, s2  }
0x8d: {  	s2 =	sadd.s32 s2, s17  }
0x8e: {  	[smem:$0x3FC2] =	sst s2  }
0x8f: {  	_ = 	snop  }
0x90: {  	s2 =	sld [smem:$0x3FD0];
	(tm) =	ssettm $0x1  }
0x91: {  	s18 =	sld [smem:$0x3FFB];
	_ =	sdelay $0x3  }
0x92: {  	_ =	strace s18  }
0x93: {  	s3 =	sld [smem:$0x3FFC];
	_ =	sdelay $0x3  }
0x94: {  	_ =	strace s3  }
0x95: {  	s3 =	sld [smem:$0x3FFD];
	_ =	sdelay $0x3  }
0x96: {  	_ =	strace s3  }
0x97: {  	_ =	strace $0x8FFFFFFF  }
0x98: {  	s19 =	sld [smem:$0x3FDB];
	_ =	sdelay $0x1  }
0x99: {  	s4 =	simm.s32 $_scs_section_size  }
0x9a: {  	s5 =	simm.s32 $_size__tile_overlayer_lowered;
	s6 =	simm.s32 $_tile_overlayer_lowered  }
0x9b: {  	s22 =	simm.s32 $0x1BFF;
	s21 =	sshll.u32 s6, $0x1;
	s3 =	sadd.s32 s4, s19  }
0x9c: {  	s7 =	simm.s32 $0x0;
	s20 =	sshll.u32 s5, $0x1;
	s5 =	sadd.s32 s21, s3  }
0x9d: {  	[timem:s7], [sflag:s22] =	dma.local [hbm:s5], s20  }
0x9e: {  	_ =	swait.ge [sflag:s22], s20  }
0x9f: {  	s4 =	ssub.s32 $0x0, s20;
	[sflag:s22] =	ssyncset.done $0x0  }
0xa0: {  	[sflag:s22] =	ssyncadd.s32 s4;
	_ =	sdelay $0x1  }
0xa1: {  	s23 =	simm.s32 $0x1B8B  }
0xa2: {  	_ =	swait.ge [sflag:s23], $0x1  }
0xa3: {  	[sflag:s23] =	ssyncset.done $0x0  }
0xa4: {  	s25 =	simm.s32 $0x1B8E;
	s24 =	sld [smem:$0x3FFE];
	[sflag:s23] =	ssyncadd.s32 $0xFFFFFFFF  }
0xa5: {  	s26 =	simm.s32 $execute0_lowered;
	[smem:$0x3FD2] =	sst s25  }
0xa6: {  	s5 =	sshll.u32 s26, $0x1;
	_ =	strace $0x80000049;
	[dreg:$0x1] =	wrdreg $0xFFFFFFFF  }
0xa7: {  	s28 =	simm.s32 $_size_execute0_lowered;
	s3 =	sadd.s32 s3, s5;
	[dreg:$0x0] =	wrdreg $0x0  }
0xa8: {  	s5 =	sshll.u32 s28, $0x1;
	[dreg:$0x2] =	wrdreg s3  }
0xa9: {  	[dreg:$0x3] =	wrdreg s5  }
0xaa: {  	[dreg:$0x4] =	wrdreg $0xC0  }
0xab: {  	_ =	task [dreg:s7], $0x5FFFF  }
0xac: {  	[dreg:$0x1] =	wrdreg $0xFFFFFFFF  }
0xad: {  	[dreg:$0x0] =	wrdreg $0x60  }
0xae: {  	[dreg:$0x2] =	wrdreg s24  }
0xaf: {  	[dreg:$0x3] =	wrdreg s2  }
0xb0: {  	[dreg:$0x4] =	wrdreg $0x9  }
0xb1: {  	_ =	task.clear_ibuf [dreg:s7], $0x5FFFF;
	_ =	strace $0x90000049  }
0xb2: {  	s29 =	simm.s32 $0x9;
	_ =	strace $0x8000004B  }
0xb3: {  	_ =	swait.ge [sflag:s29], $0x1  }
0xb4: {  	[sflag:s29] =	ssyncadd.s32 $0xFFFFFFFF  }
0xb5: {  	_ =	strace $0x9000004B  }
0xb6: {  	_ =	sfence  }
0xb7: {  	s30 =	sld [smem:$0x0];
	_ =	sdelay $0x2  }
0xb8: {  	s31 =	sshll.u32 s1, $0xD;
	s1 =	sshrl.u32 s1, $0x2  }
0xb9: {  	s3 =	sand.u32 $0x4000, s31;
	s1 =	sadd.s32 s1, s30  }
0xba: {  	s0 =	sor.u32 s3, s0;
	s1 =	sshll.u32 s1, $0x11  }
0xbb: {  	s0 =	sor.u32 s1, s0  }
0xbc: {  	s0 =	sadd.s32 $0x8F2B, s0  }
0xbd: {  	[sflag:s0] =	ssyncadd.remote.s32 $0x1  }
0xbe: {  	_ =	sfence.sel $0xFFFF  }
0xbf: {  	[dreg:$0x0] =	wrdreg $0xFFFFFFFF;
	(pc) =	sbr.abs _section_cstart, $3  }
0xc0: {  	[dreg:$0x1] =	wrdreg $0xFFFFFFFF  }
0xc1: {  	_ =	task.clear_ibuf [dreg:s7], $0x2FFFF;
	_ =	strace $0x9FFFFFFF  }
0xc2: {  	(tm) =	ssettm $0x7FFFFFFF  }
0xc3: {  	_ =	shalt  }
tec
execute0_lowered:
.L_overlay_start_1:
0x0: {  	(tag) =	ssettag $0x1  }
0x1: {  	s0 =	rddreg [dreg:$0x0]  }
0x2: {  	s2 =	rddreg [dreg:$0x1];
	s1 =	simm.s32 $0x0  }
0x3: {  	s4 =	srdreg.scid;
	s6 =	stileid.u32;
	s15 =	simm.s32 $0x3  }
0x4: {  	s14 =	simm.s32 $0x9800;
	s16 =	simm.s32 $0xA000;
	s17 =	simm.s32 $0xB000  }
0x5: {  	s18 =	simm.s32 $0xB800;
	s19 =	simm.s32 $0xC800;
	s20 =	simm.s32 $0xD800  }
0x6: {  	s12 =	simm.s32 $0xE000;
	s21 =	simm.s32 $0xE800;
	s13 =	simm.s32 $0xF000  }
0x7: {  	s22 =	simm.s32 $0xF800;
	s23 =	simm.s32 $0x1;
	s24 =	simm.s32 $0x2  }
0x8: {  	s25 =	simm.s32 $0x0;
	[smem:$0x7FF] =	sst s1;
	s3 =	sadd.s32 $0xD0E00, s0  }
0x9: {  	s4 =	sand.u32 $0x1, s4;
	s6 =	sshll.u32 s6, $0x7;
	s9 =	sadd.s32 $0x10A00, s0  }
0xa: {  	s10 =	sadd.s32 $0x10C00, s0;
	s5 =	ssub.s32 $0x2, s4;
	s4 =	sshll.u32 s4, $0x6  }
0xb: {  	s8 =	sadd.s32 $0xD1100, s0;
	s7 =	sshrl.u32 s5, $0x1;
	s4 =	sor.u32 s4, s6  }
0xc: {  	_ =	strace $0x8000004A;
	s5 =	ssub.s32 s5, s7;
	s6 =	sshrl.u32 s4, $0x3  }
0xd: {  	s7 =	sadd.s32 $0xD1000, s0;
	s11 =	sshll.u32 s4, $0x7;
	s4 =	sor.u32 $0x20, s4  }
0xe: {  	s26 =	sadd.s32 s9, s6;
	s6 =	sadd.s32 s10, s6;
	s28 =	sadd.s32 s2, s11  }
0xf: {  	s29 =	sshrl.u32 s4, $0x3;
	s30 =	sshll.u32 s4, $0x7;
	[dreg:$0x3] =	wrdreg s26  }
0x10: {  	s31 =	smax.u32 s5, $0x1;
	s4 =	simm.s32 $0x8800;
	[dreg:$0x4] =	wrdreg s6  }
0x11: {  	s5 =	simm.s32 $0x9000;
	s11 =	simm.s32 $0xD000;
	[dreg:$0x5] =	wrdreg s28  }
0x12: {  	s6 =	sadd.s32 $0xD0F00, s0;
	s9 =	sadd.s32 s9, s29;
	[dreg:$0x9] =	wrdreg s31  }
0x13: {  	v2 =	vlaneseq.u32;
	s0 =	sadd.s32 s10, s29;
	s10 =	simm.s32 $0xC000;
	[dreg:$0x6] =	wrdreg s9  }
0x14: {  	vm0 =	vmmov $0xffff;
	v1 =	vshrl.u32 v2, $0x3;
	[dreg:$0x7] =	wrdreg s0;
	s0 =	sadd.s32 s2, s30;
	s2 =	simm.s32 $0x8000  }
0x15: {  	v0 =	vand.u32 $0x7, v2;
	v2 =	vor.u32 $0x8, v2;
	v1 =	vmul.u32 $0x8, v1;
	s9 =	simm.s32 $0xA800;
	[dreg:$0x8] =	wrdreg s0;
	s0 =	simm.s32 $0x7800  }
.LBB2_1:
0x16: {  	s26 =	rddreg [dreg:$0x3];
	s28 =	simm.s32 $0x10000  }
0x17: {  	[tilespmem:s28], [sflag:$0x3] =	stream.linear.gather [hbm4b:s26+s1], $0x20, $0x38;
	[tilespmem:$0x10100] =	vst v63  }
0x18: {  	_ =	swait.ge [sflag:s15], $0x20  }
0x19: {  	[sflag:s15] =	ssyncset.done $0x0  }
0x1a: {  	s28 =	simm.s32 $0x10080;
	s29 =	rddreg [dreg:$0x4];
	[sflag:s15] =	ssyncadd.s32 $0xFFFFFFE0  }
0x1b: {  	[tilespmem:s28], [sflag:$0x3] =	stream.linear.gather [hbm4b:s29+s1], $0x20, $0x38;
	[tilespmem:$0x10100] =	vst v63  }
0x1c: {  	_ =	swait.ge [sflag:s15], $0x20  }
0x1d: {  	[sflag:s15] =	ssyncset.done $0x0  }
0x1e: {  	[sflag:s15] =	ssyncadd.s32 $0xFFFFFFE0  }
0x1f: {  	v3 =	vld [tilespmem:$0x10000];
	_ =	sdelay $0x4  }
0x20: {  	v4 =	vshll.u32 v3, $0x3  }
0x21: {  	v3 =	vand.u32 $0x7, v3;
	v4 =	vand.u32 $0xFFFFFFC0, v4  }
0x22: {  	v3 =	vor.u32 v3, v4  }
0x23: {  	v4 =	vperm.xlane v3, v0;
	_ =	sdelay $0x1  }
0x24: {  	v4 =	vadd.s32 v1, v4;
	_ =	sdelay $0x4  }
0x25: {  	[tilespmem:s1], [sflag:$0x1] =	stream.indirect_vreg.gather [hbm4b:s3+s1], $0x80, v4, vm0, $0xb8;
	[tilespmem:$0x10100] =	vst v63  }
0x26: {  	s30 =	simm.s32 $0x800;
	v3 =	vperm.xlane v3, v2  }
0x27: {  	[tilespmem:s30], [sflag:$0x1] =	stream.indirect_vreg.gather [hbm4b:s6+s1], $0x80, v4, vm0, $0xb8;
	[tilespmem:$0x10100] =	vst v63  }
0x28: {  	s31 =	simm.s32 $0x1000;
	v3 =	vadd.s32 v1, v3  }
0x29: {  	[tilespmem:s31], [sflag:$0x1] =	stream.indirect_vreg.gather [hbm4b:s7+s1], $0x80, v4, vm0, $0xb8;
	[tilespmem:$0x10100] =	vst v63  }
0x2a: {  	s29 =	simm.s32 $0x1800  }
0x2b: {  	[tilespmem:s29], [sflag:$0x1] =	stream.indirect_vreg.gather [hbm4b:s8+s1], $0x80, v4, vm0, $0xb8;
	[tilespmem:$0x10100] =	vst v63  }
0x2c: {  	s30 =	simm.s32 $0x2000  }
0x2d: {  	[tilespmem:s30], [sflag:$0x1] =	stream.indirect_vreg.gather [hbm4b:s3+s1], $0x80, v3, vm0, $0xb8;
	[tilespmem:$0x10100] =	vst v63  }
0x2e: {  	s31 =	simm.s32 $0x2800  }
0x2f: {  	[tilespmem:s31], [sflag:$0x1] =	stream.indirect_vreg.gather [hbm4b:s6+s1], $0x80, v3, vm0, $0xb8;
	[tilespmem:$0x10100] =	vst v63  }
0x30: {  	s29 =	simm.s32 $0x3000  }
0x31: {  	[tilespmem:s29], [sflag:$0x1] =	stream.indirect_vreg.gather [hbm4b:s7+s1], $0x80, v3, vm0, $0xb8;
	[tilespmem:$0x10100] =	vst v63  }
0x32: {  	s30 =	simm.s32 $0x3800  }
0x33: {  	[tilespmem:s30], [sflag:$0x1] =	stream.indirect_vreg.gather [hbm4b:s8+s1], $0x80, v3, vm0, $0xb8;
	[tilespmem:$0x10100] =	vst v63  }
0x34: {  	v3 =	vld [tilespmem:$0x10010];
	_ =	sdelay $0x4  }
0x35: {  	v61 =	vshll.u32 v3, $0x3  }
0x36: {  	v3 =	vand.u32 $0x7, v3;
	v4 =	vand.u32 $0xFFFFFFC0, v61  }
0x37: {  	v3 =	vor.u32 v3, v4  }
0x38: {  	v4 =	vperm.xlane v3, v0;
	_ =	sdelay $0x1  }
0x39: {  	v4 =	vadd.s32 v1, v4;
	_ =	sdelay $0x3  }
0x3a: {  	s31 =	simm.s32 $0x4000  }
0x3b: {  	[tilespmem:s31], [sflag:$0x1] =	stream.indirect_vreg.gather [hbm4b:s3+s1], $0x80, v4, vm0, $0xb8;
	[tilespmem:$0x10100] =	vst v63  }
0x3c: {  	s29 =	simm.s32 $0x4800;
	v3 =	vperm.xlane v3, v2  }
0x3d: {  	[tilespmem:s29], [sflag:$0x1] =	stream.indirect_vreg.gather [hbm4b:s6+s1], $0x80, v4, vm0, $0xb8;
	[tilespmem:$0x10100] =	vst v63  }
0x3e: {  	s30 =	simm.s32 $0x5000;
	v3 =	vadd.s32 v1, v3  }
0x3f: {  	[tilespmem:s30], [sflag:$0x1] =	stream.indirect_vreg.gather [hbm4b:s7+s1], $0x80, v4, vm0, $0xb8;
	[tilespmem:$0x10100] =	vst v63  }
0x40: {  	s31 =	simm.s32 $0x5800  }
0x41: {  	[tilespmem:s31], [sflag:$0x1] =	stream.indirect_vreg.gather [hbm4b:s8+s1], $0x80, v4, vm0, $0xb8;
	[tilespmem:$0x10100] =	vst v63  }
0x42: {  	s29 =	simm.s32 $0x6000  }
0x43: {  	[tilespmem:s29], [sflag:$0x1] =	stream.indirect_vreg.gather [hbm4b:s3+s1], $0x80, v3, vm0, $0xb8;
	[tilespmem:$0x10100] =	vst v63  }
0x44: {  	s30 =	simm.s32 $0x6800  }
0x45: {  	[tilespmem:s30], [sflag:$0x1] =	stream.indirect_vreg.gather [hbm4b:s6+s1], $0x80, v3, vm0, $0xb8;
	[tilespmem:$0x10100] =	vst v63  }
0x46: {  	s31 =	simm.s32 $0x7000  }
0x47: {  	[tilespmem:s31], [sflag:$0x1] =	stream.indirect_vreg.gather [hbm4b:s7+s1], $0x80, v3, vm0, $0xb8;
	[tilespmem:$0x10100] =	vst v63  }
0x48: {  	_ = 	snop  }
0x49: {  	[tilespmem:s0], [sflag:$0x1] =	stream.indirect_vreg.gather [hbm4b:s8+s1], $0x80, v3, vm0, $0xb8;
	[tilespmem:$0x10100] =	vst v63  }
0x4a: {  	v3 =	vld [tilespmem:$0x10080];
	_ =	sdelay $0x4  }
0x4b: {  	v62 =	vshll.u32 v3, $0x3  }
0x4c: {  	v3 =	vand.u32 $0x7, v3;
	v4 =	vand.u32 $0xFFFFFFC0, v62  }
0x4d: {  	v3 =	vor.u32 v3, v4  }
0x4e: {  	v4 =	vperm.xlane v3, v0;
	_ =	sdelay $0x1  }
0x4f: {  	v4 =	vadd.s32 v1, v4;
	_ =	sdelay $0x4  }
0x50: {  	[tilespmem:s2], [sflag:$0x2] =	stream.indirect_vreg.gather [hbm4b:s3+s1], $0x80, v4, vm0, $0xb8;
	[tilespmem:$0x10100] =	vst v63  }
0x51: {  	v3 =	vperm.xlane v3, v2  }
0x52: {  	[tilespmem:s4], [sflag:$0x2] =	stream.indirect_vreg.gather [hbm4b:s6+s1], $0x80, v4, vm0, $0xb8;
	[tilespmem:$0x10100] =	vst v63  }
0x53: {  	v3 =	vadd.s32 v1, v3  }
0x54: {  	[tilespmem:s5], [sflag:$0x2] =	stream.indirect_vreg.gather [hbm4b:s7+s1], $0x80, v4, vm0, $0xb8;
	[tilespmem:$0x10100] =	vst v63  }
0x55: {  	_ = 	snop  }
0x56: {  	[tilespmem:s14], [sflag:$0x2] =	stream.indirect_vreg.gather [hbm4b:s8+s1], $0x80, v4, vm0, $0xb8;
	[tilespmem:$0x10100] =	vst v63  }
0x57: {  	_ = 	snop  }
0x58: {  	[tilespmem:s16], [sflag:$0x2] =	stream.indirect_vreg.gather [hbm4b:s3+s1], $0x80, v3, vm0, $0xb8;
	[tilespmem:$0x10100] =	vst v63  }
0x59: {  	_ = 	snop  }
0x5a: {  	[tilespmem:s9], [sflag:$0x2] =	stream.indirect_vreg.gather [hbm4b:s6+s1], $0x80, v3, vm0, $0xb8;
	[tilespmem:$0x10100] =	vst v63  }
0x5b: {  	_ = 	snop  }
0x5c: {  	[tilespmem:s17], [sflag:$0x2] =	stream.indirect_vreg.gather [hbm4b:s7+s1], $0x80, v3, vm0, $0xb8;
	[tilespmem:$0x10100] =	vst v63  }
0x5d: {  	_ = 	snop  }
0x5e: {  	[tilespmem:s18], [sflag:$0x2] =	stream.indirect_vreg.gather [hbm4b:s8+s1], $0x80, v3, vm0, $0xb8;
	[tilespmem:$0x10100] =	vst v63  }
0x5f: {  	v3 =	vld [tilespmem:$0x10090];
	_ =	sdelay $0x4  }
0x60: {  	v63 =	vshll.u32 v3, $0x3  }
0x61: {  	v3 =	vand.u32 $0x7, v3;
	v4 =	vand.u32 $0xFFFFFFC0, v63  }
0x62: {  	v3 =	vor.u32 v3, v4  }
0x63: {  	v4 =	vperm.xlane v3, v0;
	_ =	sdelay $0x1  }
0x64: {  	v4 =	vadd.s32 v1, v4;
	_ =	sdelay $0x4  }
0x65: {  	[tilespmem:s10], [sflag:$0x2] =	stream.indirect_vreg.gather [hbm4b:s3+s1], $0x80, v4, vm0, $0xb8;
	[tilespmem:$0x10100] =	vst v63  }
0x66: {  	v3 =	vperm.xlane v3, v2  }
0x67: {  	[tilespmem:s19], [sflag:$0x2] =	stream.indirect_vreg.gather [hbm4b:s6+s1], $0x80, v4, vm0, $0xb8;
	[tilespmem:$0x10100] =	vst v63  }
0x68: {  	v3 =	vadd.s32 v1, v3  }
0x69: {  	[tilespmem:s11], [sflag:$0x2] =	stream.indirect_vreg.gather [hbm4b:s7+s1], $0x80, v4, vm0, $0xb8;
	[tilespmem:$0x10100] =	vst v63  }
0x6a: {  	_ = 	snop  }
0x6b: {  	[tilespmem:s20], [sflag:$0x2] =	stream.indirect_vreg.gather [hbm4b:s8+s1], $0x80, v4, vm0, $0xb8;
	[tilespmem:$0x10100] =	vst v63  }
0x6c: {  	_ = 	snop  }
0x6d: {  	[tilespmem:s12], [sflag:$0x2] =	stream.indirect_vreg.gather [hbm4b:s3+s1], $0x80, v3, vm0, $0xb8;
	[tilespmem:$0x10100] =	vst v63  }
0x6e: {  	_ = 	snop  }
0x6f: {  	[tilespmem:s21], [sflag:$0x2] =	stream.indirect_vreg.gather [hbm4b:s6+s1], $0x80, v3, vm0, $0xb8;
	[tilespmem:$0x10100] =	vst v63  }
0x70: {  	_ = 	snop  }
0x71: {  	[tilespmem:s13], [sflag:$0x2] =	stream.indirect_vreg.gather [hbm4b:s7+s1], $0x80, v3, vm0, $0xb8;
	[tilespmem:$0x10100] =	vst v63  }
0x72: {  	_ = 	snop  }
0x73: {  	[tilespmem:s22], [sflag:$0x2] =	stream.indirect_vreg.gather [hbm4b:s8+s1], $0x80, v3, vm0, $0xb8;
	[tilespmem:$0x10100] =	vst v63  }
0x74: {  	_ =	swait.ge [sflag:s23], $0x8000  }
0x75: {  	[sflag:s23] =	ssyncset.done $0x0  }
0x76: {  	[sflag:s23] =	ssyncadd.s32 $0xFFFF8000  }
0x77: {  	_ =	swait.ge [sflag:s24], $0x8000  }
0x78: {  	[sflag:s24] =	ssyncset.done $0x0  }
0x79: {  	s26 =	simm.s32 $0x0;
	s28 =	simm.s32 $0x0;
	[sflag:s24] =	ssyncadd.s32 $0xFFFF8000  }
.LBB2_2:
0x7a: {  	s29 =	sshll.u32 s28, $0xC;
	s30 =	sand.u32 $0x7, s26  }
0x7b: {  	s29 =	sand.u32 $0xFFFF8000, s29;
	s30 =	sshll.u32 s30, $0x9  }
0x7c: {  	s29 =	sor.u32 s30, s29  }
0x7d: {  	s29 =	sshrl.u32 s29, $0x2  }
0x7e: {  	s30 =	sor.u32 $0x40, s29  }
0x7f: {  	s29 =	sadd.s32 $0x8070, s29;
	v3 =	vmov s30  }
0x80: {  	v4 =	vmov s29;
	_ =	sdelay $0x2  }
0x81: {  	s29 =	simm.s32 $0x0  }
0x82: {  	v5 =	vld.idx.msk [tilespmem:v3+s29+$0xFFFFFFC0 ss:$0x1], $0xffff  }
0x83: {  	v6 =	vld.idx.msk [tilespmem:v4+s29+$0xFFFFFF90 ss:$0x1], $0xffff;
	_ =	sdelay $0x4  }
0x84: {  	v5 =	vadd.f32 v6, v5;
	_ =	sdelay $0x1  }
0x85: {  	[tilespmem:v3+s29+$0xFFFFFFC0 ss:$0x1] =	vst.idx.msk $0xffff, v5  }
0x86: {  	v5 =	vld.idx.msk [tilespmem:v3+s29+$0xFFFFFFD0 ss:$0x1], $0xffff  }
0x87: {  	v6 =	vld.idx.msk [tilespmem:v4+s29+$0xFFFFFFA0 ss:$0x1], $0xffff;
	_ =	sdelay $0x4  }
0x88: {  	v5 =	vadd.f32 v6, v5;
	_ =	sdelay $0x1  }
0x89: {  	[tilespmem:v3+s29+$0xFFFFFFD0 ss:$0x1] =	vst.idx.msk $0xffff, v5  }
0x8a: {  	v5 =	vld.idx.msk [tilespmem:v3+s29+$0xFFFFFFE0 ss:$0x1], $0xffff  }
0x8b: {  	v6 =	vld.idx.msk [tilespmem:v4+s29+$0xFFFFFFB0 ss:$0x1], $0xffff;
	_ =	sdelay $0x4  }
0x8c: {  	v5 =	vadd.f32 v6, v5;
	_ =	sdelay $0x1  }
0x8d: {  	[tilespmem:v3+s29+$0xFFFFFFE0 ss:$0x1] =	vst.idx.msk $0xffff, v5  }
0x8e: {  	v5 =	vld.idx.msk [tilespmem:v3+s29+$0xFFFFFFF0 ss:$0x1], $0xffff  }
0x8f: {  	v6 =	vld.idx.msk [tilespmem:v4+s29+$0xFFFFFFC0 ss:$0x1], $0xffff;
	_ =	sdelay $0x4  }
0x90: {  	v5 =	vadd.f32 v6, v5;
	_ =	sdelay $0x1  }
0x91: {  	[tilespmem:v3+s29+$0xFFFFFFF0 ss:$0x1] =	vst.idx.msk $0xffff, v5  }
0x92: {  	v5 =	vld.idx.msk [tilespmem:v3+s29+$0x0 ss:$0x1], $0xffff  }
0x93: {  	v6 =	vld.idx.msk [tilespmem:v4+s29+$0xFFFFFFD0 ss:$0x1], $0xffff;
	_ =	sdelay $0x4  }
0x94: {  	v5 =	vadd.f32 v6, v5;
	_ =	sdelay $0x1  }
0x95: {  	[tilespmem:v3+s29+$0x0 ss:$0x1] =	vst.idx.msk $0xffff, v5  }
0x96: {  	v5 =	vld.idx.msk [tilespmem:v3+s29+$0x10 ss:$0x1], $0xffff  }
0x97: {  	v6 =	vld.idx.msk [tilespmem:v4+s29+$0xFFFFFFE0 ss:$0x1], $0xffff;
	_ =	sdelay $0x4  }
0x98: {  	v5 =	vadd.f32 v6, v5;
	_ =	sdelay $0x1  }
0x99: {  	[tilespmem:v3+s29+$0x10 ss:$0x1] =	vst.idx.msk $0xffff, v5  }
0x9a: {  	v5 =	vld.idx.msk [tilespmem:v3+s29+$0x20 ss:$0x1], $0xffff  }
0x9b: {  	v6 =	vld.idx.msk [tilespmem:v4+s29+$0xFFFFFFF0 ss:$0x1], $0xffff;
	_ =	sdelay $0x4  }
0x9c: {  	v5 =	vadd.f32 v6, v5;
	_ =	sdelay $0x1  }
0x9d: {  	[tilespmem:v3+s29+$0x20 ss:$0x1] =	vst.idx.msk $0xffff, v5  }
0x9e: {  	s30 =	simm.s32 $0x1000;
	v5 =	vld.idx.msk [tilespmem:v3+s29+$0x30 ss:$0x1], $0xffff  }
.LBB2_3:
0x9f: {  	p0 =	sne.s32 s30, $0x7000;
	v6 =	vld.idx.msk [tilespmem:v4+s29+$0x0 ss:$0x1], $0xffff;
	s31 =	smov.u32 s30;
	s30 =	sadd.s32 $0x1000, s30  }
0xa0: {  	_ =	sdelay $0x4  }
0xa1: {  	v5 =	vadd.f32 v6, v5  }
0xa2: {  	s31 =	sshra.s32 s31, $0x2  }
0xa3: {  	v6 =	vld.idx.msk [tilespmem:v3+s31+$0xFFFFFFC0 ss:$0x1], $0xffff;
	[tilespmem:v3+s29+$0x30 ss:$0x1] =	vst.idx.msk $0xffff, v5;
	s29 =	smov.u32 s31  }
0xa4: {  	v5 =	vld.idx.msk [tilespmem:v4+s29+$0xFFFFFF90 ss:$0x1], $0xffff;
	_ =	sdelay $0x5  }
0xa5: {  	v5 =	vadd.f32 v5, v6;
	_ =	sdelay $0x1  }
0xa6: {  	[tilespmem:v3+s29+$0xFFFFFFC0 ss:$0x1] =	vst.idx.msk $0xffff, v5  }
0xa7: {  	v5 =	vld.idx.msk [tilespmem:v3+s29+$0xFFFFFFD0 ss:$0x1], $0xffff  }
0xa8: {  	v6 =	vld.idx.msk [tilespmem:v4+s29+$0xFFFFFFA0 ss:$0x1], $0xffff;
	_ =	sdelay $0x5  }
0xa9: {  	v5 =	vadd.f32 v6, v5;
	_ =	sdelay $0x1  }
0xaa: {  	[tilespmem:v3+s29+$0xFFFFFFD0 ss:$0x1] =	vst.idx.msk $0xffff, v5  }
0xab: {  	v5 =	vld.idx.msk [tilespmem:v3+s29+$0xFFFFFFE0 ss:$0x1], $0xffff  }
0xac: {  	v6 =	vld.idx.msk [tilespmem:v4+s29+$0xFFFFFFB0 ss:$0x1], $0xffff;
	_ =	sdelay $0x5  }
0xad: {  	v5 =	vadd.f32 v6, v5;
	_ =	sdelay $0x1  }
0xae: {  	[tilespmem:v3+s29+$0xFFFFFFE0 ss:$0x1] =	vst.idx.msk $0xffff, v5  }
0xaf: {  	v5 =	vld.idx.msk [tilespmem:v3+s29+$0xFFFFFFF0 ss:$0x1], $0xffff  }
0xb0: {  	v6 =	vld.idx.msk [tilespmem:v4+s29+$0xFFFFFFC0 ss:$0x1], $0xffff;
	_ =	sdelay $0x5  }
0xb1: {  	v5 =	vadd.f32 v6, v5;
	_ =	sdelay $0x1  }
0xb2: {  	[tilespmem:v3+s29+$0xFFFFFFF0 ss:$0x1] =	vst.idx.msk $0xffff, v5  }
0xb3: {  	v5 =	vld.idx.msk [tilespmem:v3+s29+$0x0 ss:$0x1], $0xffff  }
0xb4: {  	v6 =	vld.idx.msk [tilespmem:v4+s29+$0xFFFFFFD0 ss:$0x1], $0xffff;
	_ =	sdelay $0x5  }
0xb5: {  	v5 =	vadd.f32 v6, v5;
	_ =	sdelay $0x1  }
0xb6: {  	[tilespmem:v3+s29+$0x0 ss:$0x1] =	vst.idx.msk $0xffff, v5  }
0xb7: {  	v5 =	vld.idx.msk [tilespmem:v3+s29+$0x10 ss:$0x1], $0xffff  }
0xb8: {  	v6 =	vld.idx.msk [tilespmem:v4+s29+$0xFFFFFFE0 ss:$0x1], $0xffff;
	_ =	sdelay $0x5  }
0xb9: {  	v5 =	vadd.f32 v6, v5;
	_ =	sdelay $0x1  }
0xba: {  	[tilespmem:v3+s29+$0x10 ss:$0x1] =	vst.idx.msk $0xffff, v5  }
0xbb: {  	v5 =	vld.idx.msk [tilespmem:v3+s29+$0x20 ss:$0x1], $0xffff  }
0xbc: {  	v6 =	vld.idx.msk [tilespmem:v4+s29+$0xFFFFFFF0 ss:$0x1], $0xffff;
	_ =	sdelay $0x4  }
.Ltmp0:
0xbd: {  	(pc) =	sbr.rel @p0 .LBB2_3-.Ltmp0, $3  }
0xbe: {  	v5 =	vadd.f32 v6, v5;
	_ =	sdelay $0x1  }
0xbf: {  	[tilespmem:v3+s29+$0x20 ss:$0x1] =	vst.idx.msk $0xffff, v5  }
0xc0: {  	v5 =	vld.idx.msk [tilespmem:v3+s29+$0x30 ss:$0x1], $0xffff  }
0xc1: {  	_ =	sdelay $0x3  }
0xc2: {  	v4 =	vld.idx.msk [tilespmem:v4+s29+$0x0 ss:$0x1], $0xffff  }
0xc3: {  	s28 =	sadd.s32 $0x1, s28  }
0xc4: {  	p0 =	sne.s32 s28, $0x20  }
.Ltmp1:
0xc5: {  	_ = 	snop;
	(pc) =	sbr.rel @p0 .LBB2_2-.Ltmp1, $3  }
0xc6: {  	_ = 	snop  }
0xc7: {  	v4 =	vadd.f32 v4, v5;
	_ =	sdelay $0x1  }
0xc8: {  	s26 =	sadd.s32 $0x1, s26;
	[tilespmem:v3+s29+$0x30 ss:$0x1] =	vst.idx.msk $0xffff, v4  }
0xc9: {  	s26 =	simm.s32 $0x0;
	s28 =	rddreg [dreg:$0x5]  }
0xca: {  	[hbm4b:s28+s26] =	stream.linear.scatter [tilespmem:s26], [sflag:$0x3], $0x8000, $0x38;
	[tilespmem:$0x10100] =	vst v63  }
0xcb: {  	_ =	swait.ge [sflag:s15], $0x8000  }
0xcc: {  	[sflag:s15] =	ssyncset.done $0x0  }
0xcd: {  	s29 =	simm.s32 $0x10000;
	s28 =	rddreg [dreg:$0x6];
	[sflag:s15] =	ssyncadd.s32 $0xFFFF8000  }
0xce: {  	[tilespmem:s29], [sflag:$0x3] =	stream.linear.gather [hbm4b:s28+s26], $0x20, $0x38;
	[tilespmem:$0x10100] =	vst v63  }
0xcf: {  	_ =	swait.ge [sflag:s15], $0x20  }
0xd0: {  	[sflag:s15] =	ssyncset.done $0x0  }
0xd1: {  	s31 =	simm.s32 $0x10080;
	s28 =	rddreg [dreg:$0x7];
	[sflag:s15] =	ssyncadd.s32 $0xFFFFFFE0  }
0xd2: {  	[tilespmem:s31], [sflag:$0x3] =	stream.linear.gather [hbm4b:s28+s26], $0x20, $0x38;
	[tilespmem:$0x10100] =	vst v63  }
0xd3: {  	_ =	swait.ge [sflag:s15], $0x20  }
0xd4: {  	[sflag:s15] =	ssyncset.done $0x0  }
0xd5: {  	[sflag:s15] =	ssyncadd.s32 $0xFFFFFFE0  }
0xd6: {  	v3 =	vld [tilespmem:$0x10000];
	_ =	sdelay $0x4  }
0xd7: {  	v4 =	vshll.u32 v3, $0x3  }
0xd8: {  	v3 =	vand.u32 $0x7, v3;
	v4 =	vand.u32 $0xFFFFFFC0, v4  }
0xd9: {  	v3 =	vor.u32 v3, v4  }
0xda: {  	v4 =	vperm.xlane v3, v0;
	_ =	sdelay $0x1  }
0xdb: {  	v4 =	vadd.s32 v1, v4;
	_ =	sdelay $0x4  }
0xdc: {  	[tilespmem:s26], [sflag:$0x1] =	stream.indirect_vreg.gather [hbm4b:s3+s26], $0x80, v4, vm0, $0xb8;
	[tilespmem:$0x10100] =	vst v63  }
0xdd: {  	s28 =	simm.s32 $0x800;
	v3 =	vperm.xlane v3, v2  }
0xde: {  	[tilespmem:s28], [sflag:$0x1] =	stream.indirect_vreg.gather [hbm4b:s6+s26], $0x80, v4, vm0, $0xb8;
	[tilespmem:$0x10100] =	vst v63  }
0xdf: {  	v3 =	vadd.s32 v1, v3;
	s28 =	simm.s32 $0x1000  }
0xe0: {  	[tilespmem:s28], [sflag:$0x1] =	stream.indirect_vreg.gather [hbm4b:s7+s26], $0x80, v4, vm0, $0xb8;
	[tilespmem:$0x10100] =	vst v63  }
0xe1: {  	s28 =	simm.s32 $0x1800  }
0xe2: {  	[tilespmem:s28], [sflag:$0x1] =	stream.indirect_vreg.gather [hbm4b:s8+s26], $0x80, v4, vm0, $0xb8;
	[tilespmem:$0x10100] =	vst v63  }
0xe3: {  	s28 =	simm.s32 $0x2000  }
0xe4: {  	[tilespmem:s28], [sflag:$0x1] =	stream.indirect_vreg.gather [hbm4b:s3+s26], $0x80, v3, vm0, $0xb8;
	[tilespmem:$0x10100] =	vst v63  }
0xe5: {  	s28 =	simm.s32 $0x2800  }
0xe6: {  	[tilespmem:s28], [sflag:$0x1] =	stream.indirect_vreg.gather [hbm4b:s6+s26], $0x80, v3, vm0, $0xb8;
	[tilespmem:$0x10100] =	vst v63  }
0xe7: {  	s28 =	simm.s32 $0x3000  }
0xe8: {  	[tilespmem:s28], [sflag:$0x1] =	stream.indirect_vreg.gather [hbm4b:s7+s26], $0x80, v3, vm0, $0xb8;
	[tilespmem:$0x10100] =	vst v63  }
0xe9: {  	s28 =	simm.s32 $0x3800  }
0xea: {  	[tilespmem:s28], [sflag:$0x1] =	stream.indirect_vreg.gather [hbm4b:s8+s26], $0x80, v3, vm0, $0xb8;
	[tilespmem:$0x10100] =	vst v63  }
0xeb: {  	v3 =	vld [tilespmem:$0x10010];
	_ =	sdelay $0x4  }
0xec: {  	v61 =	vshll.u32 v3, $0x3  }
0xed: {  	v3 =	vand.u32 $0x7, v3;
	v4 =	vand.u32 $0xFFFFFFC0, v61  }
0xee: {  	v3 =	vor.u32 v3, v4  }
0xef: {  	v4 =	vperm.xlane v3, v0;
	_ =	sdelay $0x1  }
0xf0: {  	v4 =	vadd.s32 v1, v4;
	_ =	sdelay $0x3  }
0xf1: {  	s28 =	simm.s32 $0x4000  }
0xf2: {  	[tilespmem:s28], [sflag:$0x1] =	stream.indirect_vreg.gather [hbm4b:s3+s26], $0x80, v4, vm0, $0xb8;
	[tilespmem:$0x10100] =	vst v63  }
0xf3: {  	v3 =	vperm.xlane v3, v2;
	s28 =	simm.s32 $0x4800  }
0xf4: {  	[tilespmem:s28], [sflag:$0x1] =	stream.indirect_vreg.gather [hbm4b:s6+s26], $0x80, v4, vm0, $0xb8;
	[tilespmem:$0x10100] =	vst v63  }
0xf5: {  	v3 =	vadd.s32 v1, v3;
	s28 =	simm.s32 $0x5000  }
0xf6: {  	[tilespmem:s28], [sflag:$0x1] =	stream.indirect_vreg.gather [hbm4b:s7+s26], $0x80, v4, vm0, $0xb8;
	[tilespmem:$0x10100] =	vst v63  }
0xf7: {  	s28 =	simm.s32 $0x5800  }
0xf8: {  	[tilespmem:s28], [sflag:$0x1] =	stream.indirect_vreg.gather [hbm4b:s8+s26], $0x80, v4, vm0, $0xb8;
	[tilespmem:$0x10100] =	vst v63  }
0xf9: {  	s28 =	simm.s32 $0x6000  }
0xfa: {  	[tilespmem:s28], [sflag:$0x1] =	stream.indirect_vreg.gather [hbm4b:s3+s26], $0x80, v3, vm0, $0xb8;
	[tilespmem:$0x10100] =	vst v63  }
0xfb: {  	s28 =	simm.s32 $0x6800  }
0xfc: {  	[tilespmem:s28], [sflag:$0x1] =	stream.indirect_vreg.gather [hbm4b:s6+s26], $0x80, v3, vm0, $0xb8;
	[tilespmem:$0x10100] =	vst v63  }
0xfd: {  	s28 =	simm.s32 $0x7000  }
0xfe: {  	[tilespmem:s28], [sflag:$0x1] =	stream.indirect_vreg.gather [hbm4b:s7+s26], $0x80, v3, vm0, $0xb8;
	[tilespmem:$0x10100] =	vst v63  }
0xff: {  	_ = 	snop  }
0x100: {  	[tilespmem:s0], [sflag:$0x1] =	stream.indirect_vreg.gather [hbm4b:s8+s26], $0x80, v3, vm0, $0xb8;
	[tilespmem:$0x10100] =	vst v63  }
0x101: {  	v3 =	vld [tilespmem:$0x10080];
	_ =	sdelay $0x4  }
0x102: {  	v62 =	vshll.u32 v3, $0x3  }
0x103: {  	v3 =	vand.u32 $0x7, v3;
	v4 =	vand.u32 $0xFFFFFFC0, v62  }
0x104: {  	v3 =	vor.u32 v3, v4  }
0x105: {  	v4 =	vperm.xlane v3, v0;
	_ =	sdelay $0x1  }
0x106: {  	v4 =	vadd.s32 v1, v4;
	_ =	sdelay $0x4  }
0x107: {  	[tilespmem:s2], [sflag:$0x2] =	stream.indirect_vreg.gather [hbm4b:s3+s26], $0x80, v4, vm0, $0xb8;
	[tilespmem:$0x10100] =	vst v63  }
0x108: {  	v3 =	vperm.xlane v3, v2  }
0x109: {  	[tilespmem:s4], [sflag:$0x2] =	stream.indirect_vreg.gather [hbm4b:s6+s26], $0x80, v4, vm0, $0xb8;
	[tilespmem:$0x10100] =	vst v63  }
0x10a: {  	v3 =	vadd.s32 v1, v3  }
0x10b: {  	[tilespmem:s5], [sflag:$0x2] =	stream.indirect_vreg.gather [hbm4b:s7+s26], $0x80, v4, vm0, $0xb8;
	[tilespmem:$0x10100] =	vst v63  }
0x10c: {  	_ = 	snop  }
0x10d: {  	[tilespmem:s14], [sflag:$0x2] =	stream.indirect_vreg.gather [hbm4b:s8+s26], $0x80, v4, vm0, $0xb8;
	[tilespmem:$0x10100] =	vst v63  }
0x10e: {  	_ = 	snop  }
0x10f: {  	[tilespmem:s16], [sflag:$0x2] =	stream.indirect_vreg.gather [hbm4b:s3+s26], $0x80, v3, vm0, $0xb8;
	[tilespmem:$0x10100] =	vst v63  }
0x110: {  	_ = 	snop  }
0x111: {  	[tilespmem:s9], [sflag:$0x2] =	stream.indirect_vreg.gather [hbm4b:s6+s26], $0x80, v3, vm0, $0xb8;
	[tilespmem:$0x10100] =	vst v63  }
0x112: {  	_ = 	snop  }
0x113: {  	[tilespmem:s17], [sflag:$0x2] =	stream.indirect_vreg.gather [hbm4b:s7+s26], $0x80, v3, vm0, $0xb8;
	[tilespmem:$0x10100] =	vst v63  }
0x114: {  	_ = 	snop  }
0x115: {  	[tilespmem:s18], [sflag:$0x2] =	stream.indirect_vreg.gather [hbm4b:s8+s26], $0x80, v3, vm0, $0xb8;
	[tilespmem:$0x10100] =	vst v63  }
0x116: {  	v3 =	vld [tilespmem:$0x10090];
	_ =	sdelay $0x4  }
0x117: {  	v63 =	vshll.u32 v3, $0x3  }
0x118: {  	v3 =	vand.u32 $0x7, v3;
	v4 =	vand.u32 $0xFFFFFFC0, v63  }
0x119: {  	v3 =	vor.u32 v3, v4  }
0x11a: {  	v4 =	vperm.xlane v3, v0;
	_ =	sdelay $0x1  }
0x11b: {  	v4 =	vadd.s32 v1, v4;
	_ =	sdelay $0x4  }
0x11c: {  	[tilespmem:s10], [sflag:$0x2] =	stream.indirect_vreg.gather [hbm4b:s3+s26], $0x80, v4, vm0, $0xb8;
	[tilespmem:$0x10100] =	vst v63  }
0x11d: {  	v3 =	vperm.xlane v3, v2  }
0x11e: {  	[tilespmem:s19], [sflag:$0x2] =	stream.indirect_vreg.gather [hbm4b:s6+s26], $0x80, v4, vm0, $0xb8;
	[tilespmem:$0x10100] =	vst v63  }
0x11f: {  	v3 =	vadd.s32 v1, v3  }
0x120: {  	[tilespmem:s11], [sflag:$0x2] =	stream.indirect_vreg.gather [hbm4b:s7+s26], $0x80, v4, vm0, $0xb8;
	[tilespmem:$0x10100] =	vst v63  }
0x121: {  	_ = 	snop  }
0x122: {  	[tilespmem:s20], [sflag:$0x2] =	stream.indirect_vreg.gather [hbm4b:s8+s26], $0x80, v4, vm0, $0xb8;
	[tilespmem:$0x10100] =	vst v63  }
0x123: {  	_ = 	snop  }
0x124: {  	[tilespmem:s12], [sflag:$0x2] =	stream.indirect_vreg.gather [hbm4b:s3+s26], $0x80, v3, vm0, $0xb8;
	[tilespmem:$0x10100] =	vst v63  }
0x125: {  	_ = 	snop  }
0x126: {  	[tilespmem:s21], [sflag:$0x2] =	stream.indirect_vreg.gather [hbm4b:s6+s26], $0x80, v3, vm0, $0xb8;
	[tilespmem:$0x10100] =	vst v63  }
0x127: {  	_ = 	snop  }
0x128: {  	[tilespmem:s13], [sflag:$0x2] =	stream.indirect_vreg.gather [hbm4b:s7+s26], $0x80, v3, vm0, $0xb8;
	[tilespmem:$0x10100] =	vst v63  }
0x129: {  	_ = 	snop  }
0x12a: {  	[tilespmem:s22], [sflag:$0x2] =	stream.indirect_vreg.gather [hbm4b:s8+s26], $0x80, v3, vm0, $0xb8;
	[tilespmem:$0x10100] =	vst v63  }
0x12b: {  	_ =	swait.ge [sflag:s23], $0x8000  }
0x12c: {  	[sflag:s23] =	ssyncset.done $0x0  }
0x12d: {  	[sflag:s23] =	ssyncadd.s32 $0xFFFF8000  }
0x12e: {  	_ =	swait.ge [sflag:s24], $0x8000  }
0x12f: {  	[sflag:s24] =	ssyncset.done $0x0  }
0x130: {  	s28 =	simm.s32 $0x0;
	[sflag:s24] =	ssyncadd.s32 $0xFFFF8000  }
.LBB2_6:
0x131: {  	s29 =	sshll.u32 s28, $0xC;
	s30 =	sand.u32 $0x7, s26  }
0x132: {  	s29 =	sand.u32 $0xFFFF8000, s29;
	s30 =	sshll.u32 s30, $0x9  }
0x133: {  	s29 =	sor.u32 s30, s29  }
0x134: {  	s29 =	sshrl.u32 s29, $0x2  }
0x135: {  	s30 =	sor.u32 $0x40, s29  }
0x136: {  	s29 =	sadd.s32 $0x8070, s29;
	v3 =	vmov s30  }
0x137: {  	v4 =	vmov s29;
	_ =	sdelay $0x2  }
0x138: {  	s29 =	simm.s32 $0x0  }
0x139: {  	v5 =	vld.idx.msk [tilespmem:v3+s29+$0xFFFFFFC0 ss:$0x1], $0xffff  }
0x13a: {  	v6 =	vld.idx.msk [tilespmem:v4+s29+$0xFFFFFF90 ss:$0x1], $0xffff;
	_ =	sdelay $0x4  }
0x13b: {  	v5 =	vadd.f32 v6, v5;
	_ =	sdelay $0x1  }
0x13c: {  	[tilespmem:v3+s29+$0xFFFFFFC0 ss:$0x1] =	vst.idx.msk $0xffff, v5  }
0x13d: {  	v5 =	vld.idx.msk [tilespmem:v3+s29+$0xFFFFFFD0 ss:$0x1], $0xffff  }
0x13e: {  	v6 =	vld.idx.msk [tilespmem:v4+s29+$0xFFFFFFA0 ss:$0x1], $0xffff;
	_ =	sdelay $0x4  }
0x13f: {  	v5 =	vadd.f32 v6, v5;
	_ =	sdelay $0x1  }
0x140: {  	[tilespmem:v3+s29+$0xFFFFFFD0 ss:$0x1] =	vst.idx.msk $0xffff, v5  }
0x141: {  	v5 =	vld.idx.msk [tilespmem:v3+s29+$0xFFFFFFE0 ss:$0x1], $0xffff  }
0x142: {  	v6 =	vld.idx.msk [tilespmem:v4+s29+$0xFFFFFFB0 ss:$0x1], $0xffff;
	_ =	sdelay $0x4  }
0x143: {  	v5 =	vadd.f32 v6, v5;
	_ =	sdelay $0x1  }
0x144: {  	[tilespmem:v3+s29+$0xFFFFFFE0 ss:$0x1] =	vst.idx.msk $0xffff, v5  }
0x145: {  	v5 =	vld.idx.msk [tilespmem:v3+s29+$0xFFFFFFF0 ss:$0x1], $0xffff  }
0x146: {  	v6 =	vld.idx.msk [tilespmem:v4+s29+$0xFFFFFFC0 ss:$0x1], $0xffff;
	_ =	sdelay $0x4  }
0x147: {  	v5 =	vadd.f32 v6, v5;
	_ =	sdelay $0x1  }
0x148: {  	[tilespmem:v3+s29+$0xFFFFFFF0 ss:$0x1] =	vst.idx.msk $0xffff, v5  }
0x149: {  	v5 =	vld.idx.msk [tilespmem:v3+s29+$0x0 ss:$0x1], $0xffff  }
0x14a: {  	v6 =	vld.idx.msk [tilespmem:v4+s29+$0xFFFFFFD0 ss:$0x1], $0xffff;
	_ =	sdelay $0x4  }
0x14b: {  	v5 =	vadd.f32 v6, v5;
	_ =	sdelay $0x1  }
0x14c: {  	[tilespmem:v3+s29+$0x0 ss:$0x1] =	vst.idx.msk $0xffff, v5  }
0x14d: {  	v5 =	vld.idx.msk [tilespmem:v3+s29+$0x10 ss:$0x1], $0xffff  }
0x14e: {  	v6 =	vld.idx.msk [tilespmem:v4+s29+$0xFFFFFFE0 ss:$0x1], $0xffff;
	_ =	sdelay $0x4  }
0x14f: {  	v5 =	vadd.f32 v6, v5;
	_ =	sdelay $0x1  }
0x150: {  	[tilespmem:v3+s29+$0x10 ss:$0x1] =	vst.idx.msk $0xffff, v5  }
0x151: {  	v5 =	vld.idx.msk [tilespmem:v3+s29+$0x20 ss:$0x1], $0xffff  }
0x152: {  	v6 =	vld.idx.msk [tilespmem:v4+s29+$0xFFFFFFF0 ss:$0x1], $0xffff;
	_ =	sdelay $0x4  }
0x153: {  	v5 =	vadd.f32 v6, v5;
	_ =	sdelay $0x1  }
0x154: {  	[tilespmem:v3+s29+$0x20 ss:$0x1] =	vst.idx.msk $0xffff, v5  }
0x155: {  	s30 =	simm.s32 $0x1000;
	v5 =	vld.idx.msk [tilespmem:v3+s29+$0x30 ss:$0x1], $0xffff  }
.LBB2_7:
0x156: {  	p0 =	sne.s32 s30, $0x7000;
	v6 =	vld.idx.msk [tilespmem:v4+s29+$0x0 ss:$0x1], $0xffff;
	s31 =	smov.u32 s30;
	s30 =	sadd.s32 $0x1000, s30  }
0x157: {  	_ =	sdelay $0x4  }
0x158: {  	v5 =	vadd.f32 v6, v5  }
0x159: {  	s31 =	sshra.s32 s31, $0x2  }
0x15a: {  	v6 =	vld.idx.msk [tilespmem:v3+s31+$0xFFFFFFC0 ss:$0x1], $0xffff;
	[tilespmem:v3+s29+$0x30 ss:$0x1] =	vst.idx.msk $0xffff, v5;
	s29 =	smov.u32 s31  }
0x15b: {  	v5 =	vld.idx.msk [tilespmem:v4+s29+$0xFFFFFF90 ss:$0x1], $0xffff;
	_ =	sdelay $0x5  }
0x15c: {  	v5 =	vadd.f32 v5, v6;
	_ =	sdelay $0x1  }
0x15d: {  	[tilespmem:v3+s29+$0xFFFFFFC0 ss:$0x1] =	vst.idx.msk $0xffff, v5  }
0x15e: {  	v5 =	vld.idx.msk [tilespmem:v3+s29+$0xFFFFFFD0 ss:$0x1], $0xffff  }
0x15f: {  	v6 =	vld.idx.msk [tilespmem:v4+s29+$0xFFFFFFA0 ss:$0x1], $0xffff;
	_ =	sdelay $0x5  }
0x160: {  	v5 =	vadd.f32 v6, v5;
	_ =	sdelay $0x1  }
0x161: {  	[tilespmem:v3+s29+$0xFFFFFFD0 ss:$0x1] =	vst.idx.msk $0xffff, v5  }
0x162: {  	v5 =	vld.idx.msk [tilespmem:v3+s29+$0xFFFFFFE0 ss:$0x1], $0xffff  }
0x163: {  	v6 =	vld.idx.msk [tilespmem:v4+s29+$0xFFFFFFB0 ss:$0x1], $0xffff;
	_ =	sdelay $0x5  }
0x164: {  	v5 =	vadd.f32 v6, v5;
	_ =	sdelay $0x1  }
0x165: {  	[tilespmem:v3+s29+$0xFFFFFFE0 ss:$0x1] =	vst.idx.msk $0xffff, v5  }
0x166: {  	v5 =	vld.idx.msk [tilespmem:v3+s29+$0xFFFFFFF0 ss:$0x1], $0xffff  }
0x167: {  	v6 =	vld.idx.msk [tilespmem:v4+s29+$0xFFFFFFC0 ss:$0x1], $0xffff;
	_ =	sdelay $0x5  }
0x168: {  	v5 =	vadd.f32 v6, v5;
	_ =	sdelay $0x1  }
0x169: {  	[tilespmem:v3+s29+$0xFFFFFFF0 ss:$0x1] =	vst.idx.msk $0xffff, v5  }
0x16a: {  	v5 =	vld.idx.msk [tilespmem:v3+s29+$0x0 ss:$0x1], $0xffff  }
0x16b: {  	v6 =	vld.idx.msk [tilespmem:v4+s29+$0xFFFFFFD0 ss:$0x1], $0xffff;
	_ =	sdelay $0x5  }
0x16c: {  	v5 =	vadd.f32 v6, v5;
	_ =	sdelay $0x1  }
0x16d: {  	[tilespmem:v3+s29+$0x0 ss:$0x1] =	vst.idx.msk $0xffff, v5  }
0x16e: {  	v5 =	vld.idx.msk [tilespmem:v3+s29+$0x10 ss:$0x1], $0xffff  }
0x16f: {  	v6 =	vld.idx.msk [tilespmem:v4+s29+$0xFFFFFFE0 ss:$0x1], $0xffff;
	_ =	sdelay $0x5  }
0x170: {  	v5 =	vadd.f32 v6, v5;
	_ =	sdelay $0x1  }
0x171: {  	[tilespmem:v3+s29+$0x10 ss:$0x1] =	vst.idx.msk $0xffff, v5  }
0x172: {  	v5 =	vld.idx.msk [tilespmem:v3+s29+$0x20 ss:$0x1], $0xffff  }
0x173: {  	v6 =	vld.idx.msk [tilespmem:v4+s29+$0xFFFFFFF0 ss:$0x1], $0xffff;
	_ =	sdelay $0x4  }
.Ltmp2:
0x174: {  	(pc) =	sbr.rel @p0 .LBB2_7-.Ltmp2, $3  }
0x175: {  	v5 =	vadd.f32 v6, v5;
	_ =	sdelay $0x1  }
0x176: {  	[tilespmem:v3+s29+$0x20 ss:$0x1] =	vst.idx.msk $0xffff, v5  }
0x177: {  	v5 =	vld.idx.msk [tilespmem:v3+s29+$0x30 ss:$0x1], $0xffff  }
0x178: {  	_ =	sdelay $0x3  }
0x179: {  	v4 =	vld.idx.msk [tilespmem:v4+s29+$0x0 ss:$0x1], $0xffff  }
0x17a: {  	s28 =	sadd.s32 $0x1, s28  }
0x17b: {  	p0 =	sne.s32 s28, $0x20  }
.Ltmp3:
0x17c: {  	_ = 	snop;
	(pc) =	sbr.rel @p0 .LBB2_6-.Ltmp3, $3  }
0x17d: {  	_ = 	snop  }
0x17e: {  	v4 =	vadd.f32 v4, v5;
	_ =	sdelay $0x1  }
0x17f: {  	s26 =	sadd.s32 $0x1, s26;
	[tilespmem:v3+s29+$0x30 ss:$0x1] =	vst.idx.msk $0xffff, v4  }
0x180: {  	s26 =	rddreg [dreg:$0x8]  }
0x181: {  	[hbm4b:s26+s1] =	stream.linear.scatter [tilespmem:s1], [sflag:$0x3], $0x8000, $0x38;
	[tilespmem:$0x10100] =	vst v63  }
0x182: {  	_ =	swait.ge [sflag:s15], $0x8000  }
0x183: {  	s25 =	sadd.s32 $0x1, s25;
	s31 =	rddreg [dreg:$0x9]  }
0x184: {  	p0 =	sne.s32 s25, s31  }
.Ltmp4:
0x185: {  	_ = 	snop;
	(pc) =	sbr.rel @p0 .LBB2_1-.Ltmp4, $3  }
0x186: {  	_ =	sdelay $0x1  }
0x187: {  	[sflag:s15] =	ssyncset.done $0x0  }
0x188: {  	[sflag:s15] =	ssyncadd.s32 $0xFFFF8000  }
0x189: {  	_ =	sfence.sel $0x180000  }
0x18a: {  	[bflag:$0x0] =	sbarrier.arrive $0xFFFF  }
0x18b: {  	_ =	strace $0x9000004A  }
0x18c: {  	s0 =	stileid.u32;
	[bflag:$0x2] =	sbarrier.arrive $0xFFFF  }
0x18d: {  	p0 =	sne.s32 s0, $0x0;
	s0 =	rddreg [dreg:$0x2]  }
0x18e: {  	s0 =	sadd.s32 @!p0 $0x100000, s0  }
0x18f: {  	[sflag:s0] =	ssyncadd.tile.s32 @!p0 $0x1;
	_ =	shalt  }
.Lfunc_end2:
_tile_overlayer_lowered:
.L_overlay_start_2:
0x190: {  	(tag) =	ssettag $0x2  }
0x191: {  	s0 =	rddreg [dreg:$0x0];
	s2 =	stileid.u32  }
0x192: {  	s1 =	rddreg [dreg:$0x1];
	p0 =	sne.s32 s2, $0x0  }
0x193: {  	s3 =	rddreg [dreg:$0x2];
	[bflag:$0x3] =	sbarrier.arrive $0xFFFF;
	s2 =	simm.s32 @!p0 $0x1C03  }
0x194: {  	[timem:s3], [sflag:s2] =	dma.local @!p0 [hbm:s0], s1  }
0x195: {  	s0 =	simm.s32 @!p0 $0x3  }
0x196: {  	_ =	swait.ge @!p0 [sflag:s0], s1  }
0x197: {  	s1 =	ssub.s32 @!p0 $0x0, s1;
	[sflag:s0] =	ssyncset.done @!p0 $0x0  }
0x198: {  	[sflag:s0] =	ssyncadd.s32 @!p0 s1  }
0x199: {  	[bflag:$0x3] =	sbarrier.arrive $0xFFFF  }
0x19a: {  	_ =	shalt  }

</sc_bundles>
